<compile_context>
chip_gen: v7x
topology: tpu7x:2x2x1
jax: 0.10.2.dev20260603
libtpu: 0.0.44.dev20260713+nightly
codegen_flags: <defaults>
</compile_context>

<pallas_src>
import jax
import jax.numpy as jnp
from jax import lax
from jax.experimental import pallas as pl
from jax.experimental.pallas import tpu as pltpu
from jax.experimental.pallas import tpu_sc as plsc

D_MODEL = 1024
MAX_LEN = 8192
SEQ_LEN = 8192

_NC = 2
_NS = 16
_NW = _NC * _NS
_ROWS_PER_W = SEQ_LEN // _NW


_CHUNK = 32
_NCHUNK = _ROWS_PER_W // _CHUNK


def _copy_kernel(table_hbm, out_hbm, buf, ls0, ls1, ss0, ss1):
    wid = lax.axis_index("s") * _NC + lax.axis_index("c")
    base = wid * _ROWS_PER_W
    lsem = (ls0, ls1)
    ssem = (ss0, ss1)

    def load(i):
        return pltpu.async_copy(table_hbm.at[pl.ds(base + i * _CHUNK, _CHUNK)],
                                buf.at[i % 2], lsem[i % 2])

    def store(i):
        return pltpu.async_copy(buf.at[i % 2],
                                out_hbm.at[pl.ds(base + i * _CHUNK, _CHUNK)],
                                ssem[i % 2])

    loads = [None] * _NCHUNK
    stores = [None] * _NCHUNK
    loads[0] = load(0)
    for i in range(_NCHUNK):
        if i + 1 < _NCHUNK:
            if i - 1 >= 0:
                stores[i - 1].wait()
            loads[i + 1] = load(i + 1)
        loads[i].wait()
        stores[i] = store(i)
    stores[_NCHUNK - 1].wait()


def kernel(seq_len, table):
    del seq_len
    mesh = plsc.VectorSubcoreMesh(core_axis_name="c", subcore_axis_name="s")
    out = pl.kernel(
        _copy_kernel,
        out_type=jax.ShapeDtypeStruct((SEQ_LEN, D_MODEL), jnp.float32),
        mesh=mesh,
        scratch_types=[
            pltpu.VMEM((2, _CHUNK, D_MODEL), jnp.float32),
            pltpu.SemaphoreType.DMA,
            pltpu.SemaphoreType.DMA,
            pltpu.SemaphoreType.DMA,
            pltpu.SemaphoreType.DMA,
        ],
    )(table)
    return out[None]

# --- scband reference (transcript-rebuilt; emitter-appended) ---
"""Pipeline reference for scband-positional-encoding-70334384439533 (READ-ONLY COPY).

The authoritative reference and input builder live on the scoring server;
editing this copy changes nothing except your own understanding.
"""

import jax, jax.numpy as jnp
import numpy as np

D_MODEL = 1024
MAX_LEN = 8192
SEQ_LEN = 8192

def setup_inputs(seed: int = 0) -> dict:
    key = jax.random.key(seed)
    # Learned position embedding table (nn.Embedding(max_len, d_model) weight)
    table = jax.random.normal(key, (MAX_LEN, D_MODEL), dtype=jnp.float32)
    return {"seq_len": SEQ_LEN, "table": table}

def reference(seq_len, table):
    # positions = torch.arange(seq_len).unsqueeze(0); embedding(positions)
    positions = (jnp.arange(SEQ_LEN) + (seq_len - SEQ_LEN))[None, :]  # [1, seq_len]
    out = jnp.take(table, positions, axis=0)  # [1, seq_len, d_model]
    return out

if __name__ == "__main__":
    import jax
    _d = setup_inputs()
    print(jax.jit(kernel)(*tuple(_d.values())))

</pallas_src>

<mosaic_0001>
#map = affine_map<(d0, d1) -> (0, 0)>
module attributes {stable_mosaic.version = 14 : i64} {
  func.func @_copy_kernel(%arg0: i32, %arg1: i32, %arg2: memref<8192x1024xf32, #tpu.memory_space<hbm>>, %arg3: memref<8192x1024xf32, #tpu.memory_space<hbm>>, %arg4: memref<2x32x1024xf32, #tpu.memory_space<vmem>>, %arg5: memref<!tpu.dma_semaphore, #tpu.memory_space<semaphore_mem>>, %arg6: memref<!tpu.dma_semaphore, #tpu.memory_space<semaphore_mem>>, %arg7: memref<!tpu.dma_semaphore, #tpu.memory_space<semaphore_mem>>, %arg8: memref<!tpu.dma_semaphore, #tpu.memory_space<semaphore_mem>>) attributes {dimension_semantics = [#tpu.dimension_semantics<core_parallel>, #tpu.dimension_semantics<subcore_parallel>], iteration_bounds = array<i64: 2, 16>, scalar_prefetch = 0 : i64, scratch_operands = 5 : i64, tpu.core_type = #tpu.core_type<sc_vector_subcore>, window_params = [{transform_indices = #map}, {transform_indices = #map}]} {
    %mul3A = arith.constant 2 : i32
    %mul3A_0 = arith.muli %arg1, %mul3A : i32
    %add3A = arith.addi %mul3A_0, %arg0 : i32
    %mul3A_1 = arith.constant 256 : i32
    %mul3A_2 = arith.muli %add3A, %mul3A_1 : i32
    %add3A_3 = arith.constant 0 : i32
    %add3A_4 = arith.addi %mul3A_2, %add3A_3 : i32
    %dma_start3A = arith.constant 0 : i32
    %dma_start3A_5 = arith.constant 0 : i32
    %dma_start3A_6 = arith.constant 0 : i32
    %dma_start3A_7 = tpu.memref_slice %arg4[%dma_start3A, %dma_start3A_5, %dma_start3A_6] : memref<2x32x1024xf32, #tpu.memory_space<vmem>> -> memref<1x32x1024xf32, #tpu.memory_space<vmem>>
    %dma_start3A_8 = tpu.memref_squeeze %dma_start3A_7 : memref<1x32x1024xf32, #tpu.memory_space<vmem>> -> memref<32x1024xf32, #tpu.memory_space<vmem>>
    %dma_start3A_9 = arith.constant 0 : i32
    %dma_start3A_10 = tpu.memref_slice %arg2[%add3A_4, %dma_start3A_9] : memref<8192x1024xf32, #tpu.memory_space<hbm>> -> memref<32x1024xf32, #tpu.memory_space<hbm>>
    %dma_start3A_11 = arith.constant 0 : i32
    %dma_start3A_12 = arith.constant 0 : i32
    %dma_start3A_13 = tpu.memref_slice %arg4[%dma_start3A, %dma_start3A_11, %dma_start3A_12] : memref<2x32x1024xf32, #tpu.memory_space<vmem>> -> memref<1x32x1024xf32, #tpu.memory_space<vmem>>
    %dma_start3A_14 = tpu.memref_squeeze %dma_start3A_13 : memref<1x32x1024xf32, #tpu.memory_space<vmem>> -> memref<32x1024xf32, #tpu.memory_space<vmem>>
    %dma_start3A_15 = arith.constant 0 : i32
    %dma_start3A_16 = tpu.memref_slice %arg2[%add3A_4, %dma_start3A_15] : memref<8192x1024xf32, #tpu.memory_space<hbm>> -> memref<32x1024xf32, #tpu.memory_space<hbm>>
    tpu.enqueue_dma source(%dma_start3A_16 : memref<32x1024xf32, #tpu.memory_space<hbm>>) target(%dma_start3A_14 : memref<32x1024xf32, #tpu.memory_space<vmem>>) target_semaphore(%arg5 : memref<!tpu.dma_semaphore, #tpu.memory_space<semaphore_mem>>)
    %add3A_17 = arith.constant 32 : i32
    %add3A_18 = arith.addi %mul3A_2, %add3A_17 : i32
    %dma_start3A_19 = arith.constant 1 : i32
    %dma_start3A_20 = arith.constant 0 : i32
    %dma_start3A_21 = arith.constant 0 : i32
    %dma_start3A_22 = tpu.memref_slice %arg4[%dma_start3A_19, %dma_start3A_20, %dma_start3A_21] : memref<2x32x1024xf32, #tpu.memory_space<vmem>> -> memref<1x32x1024xf32, #tpu.memory_space<vmem>>
    %dma_start3A_23 = tpu.memref_squeeze %dma_start3A_22 : memref<1x32x1024xf32, #tpu.memory_space<vmem>> -> memref<32x1024xf32, #tpu.memory_space<vmem>>
    %dma_start3A_24 = arith.constant 0 : i32
    %dma_start3A_25 = tpu.memref_slice %arg2[%add3A_18, %dma_start3A_24] : memref<8192x1024xf32, #tpu.memory_space<hbm>> -> memref<32x1024xf32, #tpu.memory_space<hbm>>
    %dma_start3A_26 = arith.constant 0 : i32
    %dma_start3A_27 = arith.constant 0 : i32
    %dma_start3A_28 = tpu.memref_slice %arg4[%dma_start3A_19, %dma_start3A_26, %dma_start3A_27] : memref<2x32x1024xf32, #tpu.memory_space<vmem>> -> memref<1x32x1024xf32, #tpu.memory_space<vmem>>
    %dma_start3A_29 = tpu.memref_squeeze %dma_start3A_28 : memref<1x32x1024xf32, #tpu.memory_space<vmem>> -> memref<32x1024xf32, #tpu.memory_space<vmem>>
    %dma_start3A_30 = arith.constant 0 : i32
    %dma_start3A_31 = tpu.memref_slice %arg2[%add3A_18, %dma_start3A_30] : memref<8192x1024xf32, #tpu.memory_space<hbm>> -> memref<32x1024xf32, #tpu.memory_space<hbm>>
    tpu.enqueue_dma source(%dma_start3A_31 : memref<32x1024xf32, #tpu.memory_space<hbm>>) target(%dma_start3A_29 : memref<32x1024xf32, #tpu.memory_space<vmem>>) target_semaphore(%arg6 : memref<!tpu.dma_semaphore, #tpu.memory_space<semaphore_mem>>)
    %dma_wait3A = arith.constant 0 : i32
    %dma_wait3A_32 = arith.constant 0 : i32
    %dma_wait3A_33 = arith.constant 0 : i32
    %dma_wait3A_34 = tpu.memref_slice %arg4[%dma_wait3A, %dma_wait3A_32, %dma_wait3A_33] : memref<2x32x1024xf32, #tpu.memory_space<vmem>> -> memref<1x32x1024xf32, #tpu.memory_space<vmem>>
    %dma_wait3A_35 = tpu.memref_squeeze %dma_wait3A_34 : memref<1x32x1024xf32, #tpu.memory_space<vmem>> -> memref<32x1024xf32, #tpu.memory_space<vmem>>
    %dma_wait3A_36 = arith.constant 0 : i32
    %dma_wait3A_37 = tpu.memref_slice %arg2[%add3A_4, %dma_wait3A_36] : memref<8192x1024xf32, #tpu.memory_space<hbm>> -> memref<32x1024xf32, #tpu.memory_space<hbm>>
    %dma_wait3A_38 = arith.constant 0 : i32
    %dma_wait3A_39 = arith.constant 0 : i32
    %dma_wait3A_40 = tpu.memref_slice %arg4[%dma_wait3A, %dma_wait3A_38, %dma_wait3A_39] : memref<2x32x1024xf32, #tpu.memory_space<vmem>> -> memref<1x32x1024xf32, #tpu.memory_space<vmem>>
    %dma_wait3A_41 = tpu.memref_squeeze %dma_wait3A_40 : memref<1x32x1024xf32, #tpu.memory_space<vmem>> -> memref<32x1024xf32, #tpu.memory_space<vmem>>
    %dma_wait3A_42 = arith.constant 0 : i32
    %dma_wait3A_43 = tpu.memref_slice %arg2[%add3A_4, %dma_wait3A_42] : memref<8192x1024xf32, #tpu.memory_space<hbm>> -> memref<32x1024xf32, #tpu.memory_space<hbm>>
    tpu.wait_dma2 semaphore(%arg5 : memref<!tpu.dma_semaphore, #tpu.memory_space<semaphore_mem>>) src(%dma_wait3A_43 : memref<32x1024xf32, #tpu.memory_space<hbm>>) dst(%dma_wait3A_41 : memref<32x1024xf32, #tpu.memory_space<vmem>>)
    %add3A_44 = arith.constant 0 : i32
    %add3A_45 = arith.addi %mul3A_2, %add3A_44 : i32
    %dma_start3A_46 = arith.constant 0 : i32
    %dma_start3A_47 = arith.constant 0 : i32
    %dma_start3A_48 = arith.constant 0 : i32
    %dma_start3A_49 = tpu.memref_slice %arg4[%dma_start3A_46, %dma_start3A_47, %dma_start3A_48] : memref<2x32x1024xf32, #tpu.memory_space<vmem>> -> memref<1x32x1024xf32, #tpu.memory_space<vmem>>
    %dma_start3A_50 = tpu.memref_squeeze %dma_start3A_49 : memref<1x32x1024xf32, #tpu.memory_space<vmem>> -> memref<32x1024xf32, #tpu.memory_space<vmem>>
    %dma_start3A_51 = arith.constant 0 : i32
    %dma_start3A_52 = tpu.memref_slice %arg3[%add3A_45, %dma_start3A_51] : memref<8192x1024xf32, #tpu.memory_space<hbm>> -> memref<32x1024xf32, #tpu.memory_space<hbm>>
    %dma_start3A_53 = arith.constant 0 : i32
    %dma_start3A_54 = tpu.memref_slice %arg3[%add3A_45, %dma_start3A_53] : memref<8192x1024xf32, #tpu.memory_space<hbm>> -> memref<32x1024xf32, #tpu.memory_space<hbm>>
    %dma_start3A_55 = arith.constant 0 : i32
    %dma_start3A_56 = arith.constant 0 : i32
    %dma_start3A_57 = tpu.memref_slice %arg4[%dma_start3A_46, %dma_start3A_55, %dma_start3A_56] : memref<2x32x1024xf32, #tpu.memory_space<vmem>> -> memref<1x32x1024xf32, #tpu.memory_space<vmem>>
    %dma_start3A_58 = tpu.memref_squeeze %dma_start3A_57 : memref<1x32x1024xf32, #tpu.memory_space<vmem>> -> memref<32x1024xf32, #tpu.memory_space<vmem>>
    tpu.enqueue_dma source(%dma_start3A_58 : memref<32x1024xf32, #tpu.memory_space<vmem>>) target(%dma_start3A_54 : memref<32x1024xf32, #tpu.memory_space<hbm>>) target_semaphore(%arg7 : memref<!tpu.dma_semaphore, #tpu.memory_space<semaphore_mem>>)
    %dma_wait3A_59 = arith.constant 0 : i32
    %dma_wait3A_60 = arith.constant 0 : i32
    %dma_wait3A_61 = arith.constant 0 : i32
    %dma_wait3A_62 = tpu.memref_slice %arg4[%dma_wait3A_59, %dma_wait3A_60, %dma_wait3A_61] : memref<2x32x1024xf32, #tpu.memory_space<vmem>> -> memref<1x32x1024xf32, #tpu.memory_space<vmem>>
    %dma_wait3A_63 = tpu.memref_squeeze %dma_wait3A_62 : memref<1x32x1024xf32, #tpu.memory_space<vmem>> -> memref<32x1024xf32, #tpu.memory_space<vmem>>
    %dma_wait3A_64 = arith.constant 0 : i32
    %dma_wait3A_65 = tpu.memref_slice %arg3[%add3A_45, %dma_wait3A_64] : memref<8192x1024xf32, #tpu.memory_space<hbm>> -> memref<32x1024xf32, #tpu.memory_space<hbm>>
    %dma_wait3A_66 = arith.constant 0 : i32
    %dma_wait3A_67 = tpu.memref_slice %arg3[%add3A_45, %dma_wait3A_66] : memref<8192x1024xf32, #tpu.memory_space<hbm>> -> memref<32x1024xf32, #tpu.memory_space<hbm>>
    %dma_wait3A_68 = arith.constant 0 : i32
    %dma_wait3A_69 = arith.constant 0 : i32
    %dma_wait3A_70 = tpu.memref_slice %arg4[%dma_wait3A_59, %dma_wait3A_68, %dma_wait3A_69] : memref<2x32x1024xf32, #tpu.memory_space<vmem>> -> memref<1x32x1024xf32, #tpu.memory_space<vmem>>
    %dma_wait3A_71 = tpu.memref_squeeze %dma_wait3A_70 : memref<1x32x1024xf32, #tpu.memory_space<vmem>> -> memref<32x1024xf32, #tpu.memory_space<vmem>>
    tpu.wait_dma2 semaphore(%arg7 : memref<!tpu.dma_semaphore, #tpu.memory_space<semaphore_mem>>) src(%dma_wait3A_71 : memref<32x1024xf32, #tpu.memory_space<vmem>>) dst(%dma_wait3A_67 : memref<32x1024xf32, #tpu.memory_space<hbm>>)
    %add3A_72 = arith.constant 64 : i32
    %add3A_73 = arith.addi %mul3A_2, %add3A_72 : i32
    %dma_start3A_74 = arith.constant 0 : i32
    %dma_start3A_75 = arith.constant 0 : i32
    %dma_start3A_76 = arith.constant 0 : i32
    %dma_start3A_77 = tpu.memref_slice %arg4[%dma_start3A_74, %dma_start3A_75, %dma_start3A_76] : memref<2x32x1024xf32, #tpu.memory_space<vmem>> -> memref<1x32x1024xf32, #tpu.memory_space<vmem>>
    %dma_start3A_78 = tpu.memref_squeeze %dma_start3A_77 : memref<1x32x1024xf32, #tpu.memory_space<vmem>> -> memref<32x1024xf32, #tpu.memory_space<vmem>>
    %dma_start3A_79 = arith.constant 0 : i32
    %dma_start3A_80 = tpu.memref_slice %arg2[%add3A_73, %dma_start3A_79] : memref<8192x1024xf32, #tpu.memory_space<hbm>> -> memref<32x1024xf32, #tpu.memory_space<hbm>>
    %dma_start3A_81 = arith.constant 0 : i32
    %dma_start3A_82 = arith.constant 0 : i32
    %dma_start3A_83 = tpu.memref_slice %arg4[%dma_start3A_74, %dma_start3A_81, %dma_start3A_82] : memref<2x32x1024xf32, #tpu.memory_space<vmem>> -> memref<1x32x1024xf32, #tpu.memory_space<vmem>>
    %dma_start3A_84 = tpu.memref_squeeze %dma_start3A_83 : memref<1x32x1024xf32, #tpu.memory_space<vmem>> -> memref<32x1024xf32, #tpu.memory_space<vmem>>
    %dma_start3A_85 = arith.constant 0 : i32
    %dma_start3A_86 = tpu.memref_slice %arg2[%add3A_73, %dma_start3A_85] : memref<8192x1024xf32, #tpu.memory_space<hbm>> -> memref<32x1024xf32, #tpu.memory_space<hbm>>
    tpu.enqueue_dma source(%dma_start3A_86 : memref<32x1024xf32, #tpu.memory_space<hbm>>) target(%dma_start3A_84 : memref<32x1024xf32, #tpu.memory_space<vmem>>) target_semaphore(%arg5 : memref<!tpu.dma_semaphore, #tpu.memory_space<semaphore_mem>>)
    %dma_wait3A_87 = arith.constant 1 : i32
    %dma_wait3A_88 = arith.constant 0 : i32
    %dma_wait3A_89 = arith.constant 0 : i32
    %dma_wait3A_90 = tpu.memref_slice %arg4[%dma_wait3A_87, %dma_wait3A_88, %dma_wait3A_89] : memref<2x32x1024xf32, #tpu.memory_space<vmem>> -> memref<1x32x1024xf32, #tpu.memory_space<vmem>>
    %dma_wait3A_91 = tpu.memref_squeeze %dma_wait3A_90 : memref<1x32x1024xf32, #tpu.memory_space<vmem>> -> memref<32x1024xf32, #tpu.memory_space<vmem>>
    %dma_wait3A_92 = arith.constant 0 : i32
    %dma_wait3A_93 = tpu.memref_slice %arg2[%add3A_18, %dma_wait3A_92] : memref<8192x1024xf32, #tpu.memory_space<hbm>> -> memref<32x1024xf32, #tpu.memory_space<hbm>>
    %dma_wait3A_94 = arith.constant 0 : i32
    %dma_wait3A_95 = arith.constant 0 : i32
    %dma_wait3A_96 = tpu.memref_slice %arg4[%dma_wait3A_87, %dma_wait3A_94, %dma_wait3A_95] : memref<2x32x1024xf32, #tpu.memory_space<vmem>> -> memref<1x32x1024xf32, #tpu.memory_space<vmem>>
    %dma_wait3A_97 = tpu.memref_squeeze %dma_wait3A_96 : memref<1x32x1024xf32, #tpu.memory_space<vmem>> -> memref<32x1024xf32, #tpu.memory_space<vmem>>
    %dma_wait3A_98 = arith.constant 0 : i32
    %dma_wait3A_99 = tpu.memref_slice %arg2[%add3A_18, %dma_wait3A_98] : memref<8192x1024xf32, #tpu.memory_space<hbm>> -> memref<32x1024xf32, #tpu.memory_space<hbm>>
    tpu.wait_dma2 semaphore(%arg6 : memref<!tpu.dma_semaphore, #tpu.memory_space<semaphore_mem>>) src(%dma_wait3A_99 : memref<32x1024xf32, #tpu.memory_space<hbm>>) dst(%dma_wait3A_97 : memref<32x1024xf32, #tpu.memory_space<vmem>>)
    %add3A_100 = arith.constant 32 : i32
    %add3A_101 = arith.addi %mul3A_2, %add3A_100 : i32
    %dma_start3A_102 = arith.constant 1 : i32
    %dma_start3A_103 = arith.constant 0 : i32
    %dma_start3A_104 = arith.constant 0 : i32
    %dma_start3A_105 = tpu.memref_slice %arg4[%dma_start3A_102, %dma_start3A_103, %dma_start3A_104] : memref<2x32x1024xf32, #tpu.memory_space<vmem>> -> memref<1x32x1024xf32, #tpu.memory_space<vmem>>
    %dma_start3A_106 = tpu.memref_squeeze %dma_start3A_105 : memref<1x32x1024xf32, #tpu.memory_space<vmem>> -> memref<32x1024xf32, #tpu.memory_space<vmem>>
    %dma_start3A_107 = arith.constant 0 : i32
    %dma_start3A_108 = tpu.memref_slice %arg3[%add3A_101, %dma_start3A_107] : memref<8192x1024xf32, #tpu.memory_space<hbm>> -> memref<32x1024xf32, #tpu.memory_space<hbm>>
    %dma_start3A_109 = arith.constant 0 : i32
    %dma_start3A_110 = tpu.memref_slice %arg3[%add3A_101, %dma_start3A_109] : memref<8192x1024xf32, #tpu.memory_space<hbm>> -> memref<32x1024xf32, #tpu.memory_space<hbm>>
    %dma_start3A_111 = arith.constant 0 : i32
    %dma_start3A_112 = arith.constant 0 : i32
    %dma_start3A_113 = tpu.memref_slice %arg4[%dma_start3A_102, %dma_start3A_111, %dma_start3A_112] : memref<2x32x1024xf32, #tpu.memory_space<vmem>> -> memref<1x32x1024xf32, #tpu.memory_space<vmem>>
    %dma_start3A_114 = tpu.memref_squeeze %dma_start3A_113 : memref<1x32x1024xf32, #tpu.memory_space<vmem>> -> memref<32x1024xf32, #tpu.memory_space<vmem>>
    tpu.enqueue_dma source(%dma_start3A_114 : memref<32x1024xf32, #tpu.memory_space<vmem>>) target(%dma_start3A_110 : memref<32x1024xf32, #tpu.memory_space<hbm>>) target_semaphore(%arg8 : memref<!tpu.dma_semaphore, #tpu.memory_space<semaphore_mem>>)
    %dma_wait3A_115 = arith.constant 1 : i32
    %dma_wait3A_116 = arith.constant 0 : i32
    %dma_wait3A_117 = arith.constant 0 : i32
    %dma_wait3A_118 = tpu.memref_slice %arg4[%dma_wait3A_115, %dma_wait3A_116, %dma_wait3A_117] : memref<2x32x1024xf32, #tpu.memory_space<vmem>> -> memref<1x32x1024xf32, #tpu.memory_space<vmem>>
    %dma_wait3A_119 = tpu.memref_squeeze %dma_wait3A_118 : memref<1x32x1024xf32, #tpu.memory_space<vmem>> -> memref<32x1024xf32, #tpu.memory_space<vmem>>
    %dma_wait3A_120 = arith.constant 0 : i32
    %dma_wait3A_121 = tpu.memref_slice %arg3[%add3A_101, %dma_wait3A_120] : memref<8192x1024xf32, #tpu.memory_space<hbm>> -> memref<32x1024xf32, #tpu.memory_space<hbm>>
    %dma_wait3A_122 = arith.constant 0 : i32
    %dma_wait3A_123 = tpu.memref_slice %arg3[%add3A_101, %dma_wait3A_122] : memref<8192x1024xf32, #tpu.memory_space<hbm>> -> memref<32x1024xf32, #tpu.memory_space<hbm>>
    %dma_wait3A_124 = arith.constant 0 : i32
    %dma_wait3A_125 = arith.constant 0 : i32
    %dma_wait3A_126 = tpu.memref_slice %arg4[%dma_wait3A_115, %dma_wait3A_124, %dma_wait3A_125] : memref<2x32x1024xf32, #tpu.memory_space<vmem>> -> memref<1x32x1024xf32, #tpu.memory_space<vmem>>
    %dma_wait3A_127 = tpu.memref_squeeze %dma_wait3A_126 : memref<1x32x1024xf32, #tpu.memory_space<vmem>> -> memref<32x1024xf32, #tpu.memory_space<vmem>>
    tpu.wait_dma2 semaphore(%arg8 : memref<!tpu.dma_semaphore, #tpu.memory_space<semaphore_mem>>) src(%dma_wait3A_127 : memref<32x1024xf32, #tpu.memory_space<vmem>>) dst(%dma_wait3A_123 : memref<32x1024xf32, #tpu.memory_space<hbm>>)
    %add3A_128 = arith.constant 96 : i32
    %add3A_129 = arith.addi %mul3A_2, %add3A_128 : i32
    %dma_start3A_130 = arith.constant 1 : i32
    %dma_start3A_131 = arith.constant 0 : i32
    %dma_start3A_132 = arith.constant 0 : i32
    %dma_start3A_133 = tpu.memref_slice %arg4[%dma_start3A_130, %dma_start3A_131, %dma_start3A_132] : memref<2x32x1024xf32, #tpu.memory_space<vmem>> -> memref<1x32x1024xf32, #tpu.memory_space<vmem>>
    %dma_start3A_134 = tpu.memref_squeeze %dma_start3A_133 : memref<1x32x1024xf32, #tpu.memory_space<vmem>> -> memref<32x1024xf32, #tpu.memory_space<vmem>>
    %dma_start3A_135 = arith.constant 0 : i32
    %dma_start3A_136 = tpu.memref_slice %arg2[%add3A_129, %dma_start3A_135] : memref<8192x1024xf32, #tpu.memory_space<hbm>> -> memref<32x1024xf32, #tpu.memory_space<hbm>>
    %dma_start3A_137 = arith.constant 0 : i32
    %dma_start3A_138 = arith.constant 0 : i32
    %dma_start3A_139 = tpu.memref_slice %arg4[%dma_start3A_130, %dma_start3A_137, %dma_start3A_138] : memref<2x32x1024xf32, #tpu.memory_space<vmem>> -> memref<1x32x1024xf32, #tpu.memory_space<vmem>>
    %dma_start3A_140 = tpu.memref_squeeze %dma_start3A_139 : memref<1x32x1024xf32, #tpu.memory_space<vmem>> -> memref<32x1024xf32, #tpu.memory_space<vmem>>
    %dma_start3A_141 = arith.constant 0 : i32
    %dma_start3A_142 = tpu.memref_slice %arg2[%add3A_129, %dma_start3A_141] : memref<8192x1024xf32, #tpu.memory_space<hbm>> -> memref<32x1024xf32, #tpu.memory_space<hbm>>
    tpu.enqueue_dma source(%dma_start3A_142 : memref<32x1024xf32, #tpu.memory_space<hbm>>) target(%dma_start3A_140 : memref<32x1024xf32, #tpu.memory_space<vmem>>) target_semaphore(%arg6 : memref<!tpu.dma_semaphore, #tpu.memory_space<semaphore_mem>>)
    %dma_wait3A_143 = arith.constant 0 : i32
    %dma_wait3A_144 = arith.constant 0 : i32
    %dma_wait3A_145 = arith.constant 0 : i32
    %dma_wait3A_146 = tpu.memref_slice %arg4[%dma_wait3A_143, %dma_wait3A_144, %dma_wait3A_145] : memref<2x32x1024xf32, #tpu.memory_space<vmem>> -> memref<1x32x1024xf32, #tpu.memory_space<vmem>>
    %dma_wait3A_147 = tpu.memref_squeeze %dma_wait3A_146 : memref<1x32x1024xf32, #tpu.memory_space<vmem>> -> memref<32x1024xf32, #tpu.memory_space<vmem>>
    %dma_wait3A_148 = arith.constant 0 : i32
    %dma_wait3A_149 = tpu.memref_slice %arg2[%add3A_73, %dma_wait3A_148] : memref<8192x1024xf32, #tpu.memory_space<hbm>> -> memref<32x1024xf32, #tpu.memory_space<hbm>>
    %dma_wait3A_150 = arith.constant 0 : i32
    %dma_wait3A_151 = arith.constant 0 : i32
    %dma_wait3A_152 = tpu.memref_slice %arg4[%dma_wait3A_143, %dma_wait3A_150, %dma_wait3A_151] : memref<2x32x1024xf32, #tpu.memory_space<vmem>> -> memref<1x32x1024xf32, #tpu.memory_space<vmem>>
    %dma_wait3A_153 = tpu.memref_squeeze %dma_wait3A_152 : memref<1x32x1024xf32, #tpu.memory_space<vmem>> -> memref<32x1024xf32, #tpu.memory_space<vmem>>
    %dma_wait3A_154 = arith.constant 0 : i32
    %dma_wait3A_155 = tpu.memref_slice %arg2[%add3A_73, %dma_wait3A_154] : memref<8192x1024xf32, #tpu.memory_space<hbm>> -> memref<32x1024xf32, #tpu.memory_space<hbm>>
    tpu.wait_dma2 semaphore(%arg5 : memref<!tpu.dma_semaphore, #tpu.memory_space<semaphore_mem>>) src(%dma_wait3A_155 : memref<32x1024xf32, #tpu.memory_space<hbm>>) dst(%dma_wait3A_153 : memref<32x1024xf32, #tpu.memory_space<vmem>>)
    %add3A_156 = arith.constant 64 : i32
    %add3A_157 = arith.addi %mul3A_2, %add3A_156 : i32
    %dma_start3A_158 = arith.constant 0 : i32
    %dma_start3A_159 = arith.constant 0 : i32
    %dma_start3A_160 = arith.constant 0 : i32
    %dma_start3A_161 = tpu.memref_slice %arg4[%dma_start3A_158, %dma_start3A_159, %dma_start3A_160] : memref<2x32x1024xf32, #tpu.memory_space<vmem>> -> memref<1x32x1024xf32, #tpu.memory_space<vmem>>
    %dma_start3A_162 = tpu.memref_squeeze %dma_start3A_161 : memref<1x32x1024xf32, #tpu.memory_space<vmem>> -> memref<32x1024xf32, #tpu.memory_space<vmem>>
    %dma_start3A_163 = arith.constant 0 : i32
    %dma_start3A_164 = tpu.memref_slice %arg3[%add3A_157, %dma_start3A_163] : memref<8192x1024xf32, #tpu.memory_space<hbm>> -> memref<32x1024xf32, #tpu.memory_space<hbm>>
    %dma_start3A_165 = arith.constant 0 : i32
    %dma_start3A_166 = tpu.memref_slice %arg3[%add3A_157, %dma_start3A_165] : memref<8192x1024xf32, #tpu.memory_space<hbm>> -> memref<32x1024xf32, #tpu.memory_space<hbm>>
    %dma_start3A_167 = arith.constant 0 : i32
    %dma_start3A_168 = arith.constant 0 : i32
    %dma_start3A_169 = tpu.memref_slice %arg4[%dma_start3A_158, %dma_start3A_167, %dma_start3A_168] : memref<2x32x1024xf32, #tpu.memory_space<vmem>> -> memref<1x32x1024xf32, #tpu.memory_space<vmem>>
    %dma_start3A_170 = tpu.memref_squeeze %dma_start3A_169 : memref<1x32x1024xf32, #tpu.memory_space<vmem>> -> memref<32x1024xf32, #tpu.memory_space<vmem>>
    tpu.enqueue_dma source(%dma_start3A_170 : memref<32x1024xf32, #tpu.memory_space<vmem>>) target(%dma_start3A_166 : memref<32x1024xf32, #tpu.memory_space<hbm>>) target_semaphore(%arg7 : memref<!tpu.dma_semaphore, #tpu.memory_space<semaphore_mem>>)
    %dma_wait3A_171 = arith.constant 0 : i32
    %dma_wait3A_172 = arith.constant 0 : i32
    %dma_wait3A_173 = arith.constant 0 : i32
    %dma_wait3A_174 = tpu.memref_slice %arg4[%dma_wait3A_171, %dma_wait3A_172, %dma_wait3A_173] : memref<2x32x1024xf32, #tpu.memory_space<vmem>> -> memref<1x32x1024xf32, #tpu.memory_space<vmem>>
    %dma_wait3A_175 = tpu.memref_squeeze %dma_wait3A_174 : memref<1x32x1024xf32, #tpu.memory_space<vmem>> -> memref<32x1024xf32, #tpu.memory_space<vmem>>
    %dma_wait3A_176 = arith.constant 0 : i32
    %dma_wait3A_177 = tpu.memref_slice %arg3[%add3A_157, %dma_wait3A_176] : memref<8192x1024xf32, #tpu.memory_space<hbm>> -> memref<32x1024xf32, #tpu.memory_space<hbm>>
    %dma_wait3A_178 = arith.constant 0 : i32
    %dma_wait3A_179 = tpu.memref_slice %arg3[%add3A_157, %dma_wait3A_178] : memref<8192x1024xf32, #tpu.memory_space<hbm>> -> memref<32x1024xf32, #tpu.memory_space<hbm>>
    %dma_wait3A_180 = arith.constant 0 : i32
    %dma_wait3A_181 = arith.constant 0 : i32
    %dma_wait3A_182 = tpu.memref_slice %arg4[%dma_wait3A_171, %dma_wait3A_180, %dma_wait3A_181] : memref<2x32x1024xf32, #tpu.memory_space<vmem>> -> memref<1x32x1024xf32, #tpu.memory_space<vmem>>
    %dma_wait3A_183 = tpu.memref_squeeze %dma_wait3A_182 : memref<1x32x1024xf32, #tpu.memory_space<vmem>> -> memref<32x1024xf32, #tpu.memory_space<vmem>>
    tpu.wait_dma2 semaphore(%arg7 : memref<!tpu.dma_semaphore, #tpu.memory_space<semaphore_mem>>) src(%dma_wait3A_183 : memref<32x1024xf32, #tpu.memory_space<vmem>>) dst(%dma_wait3A_179 : memref<32x1024xf32, #tpu.memory_space<hbm>>)
    %add3A_184 = arith.constant 128 : i32
    %add3A_185 = arith.addi %mul3A_2, %add3A_184 : i32
    %dma_start3A_186 = arith.constant 0 : i32
    %dma_start3A_187 = arith.constant 0 : i32
    %dma_start3A_188 = arith.constant 0 : i32
    %dma_start3A_189 = tpu.memref_slice %arg4[%dma_start3A_186, %dma_start3A_187, %dma_start3A_188] : memref<2x32x1024xf32, #tpu.memory_space<vmem>> -> memref<1x32x1024xf32, #tpu.memory_space<vmem>>
    %dma_start3A_190 = tpu.memref_squeeze %dma_start3A_189 : memref<1x32x1024xf32, #tpu.memory_space<vmem>> -> memref<32x1024xf32, #tpu.memory_space<vmem>>
    %dma_start3A_191 = arith.constant 0 : i32
    %dma_start3A_192 = tpu.memref_slice %arg2[%add3A_185, %dma_start3A_191] : memref<8192x1024xf32, #tpu.memory_space<hbm>> -> memref<32x1024xf32, #tpu.memory_space<hbm>>
    %dma_start3A_193 = arith.constant 0 : i32
    %dma_start3A_194 = arith.constant 0 : i32
    %dma_start3A_195 = tpu.memref_slice %arg4[%dma_start3A_186, %dma_start3A_193, %dma_start3A_194] : memref<2x32x1024xf32, #tpu.memory_space<vmem>> -> memref<1x32x1024xf32, #tpu.memory_space<vmem>>
    %dma_start3A_196 = tpu.memref_squeeze %dma_start3A_195 : memref<1x32x1024xf32, #tpu.memory_space<vmem>> -> memref<32x1024xf32, #tpu.memory_space<vmem>>
    %dma_start3A_197 = arith.constant 0 : i32
    %dma_start3A_198 = tpu.memref_slice %arg2[%add3A_185, %dma_start3A_197] : memref<8192x1024xf32, #tpu.memory_space<hbm>> -> memref<32x1024xf32, #tpu.memory_space<hbm>>
    tpu.enqueue_dma source(%dma_start3A_198 : memref<32x1024xf32, #tpu.memory_space<hbm>>) target(%dma_start3A_196 : memref<32x1024xf32, #tpu.memory_space<vmem>>) target_semaphore(%arg5 : memref<!tpu.dma_semaphore, #tpu.memory_space<semaphore_mem>>)
    %dma_wait3A_199 = arith.constant 1 : i32
    %dma_wait3A_200 = arith.constant 0 : i32
    %dma_wait3A_201 = arith.constant 0 : i32
    %dma_wait3A_202 = tpu.memref_slice %arg4[%dma_wait3A_199, %dma_wait3A_200, %dma_wait3A_201] : memref<2x32x1024xf32, #tpu.memory_space<vmem>> -> memref<1x32x1024xf32, #tpu.memory_space<vmem>>
    %dma_wait3A_203 = tpu.memref_squeeze %dma_wait3A_202 : memref<1x32x1024xf32, #tpu.memory_space<vmem>> -> memref<32x1024xf32, #tpu.memory_space<vmem>>
    %dma_wait3A_204 = arith.constant 0 : i32
    %dma_wait3A_205 = tpu.memref_slice %arg2[%add3A_129, %dma_wait3A_204] : memref<8192x1024xf32, #tpu.memory_space<hbm>> -> memref<32x1024xf32, #tpu.memory_space<hbm>>
    %dma_wait3A_206 = arith.constant 0 : i32
    %dma_wait3A_207 = arith.constant 0 : i32
    %dma_wait3A_208 = tpu.memref_slice %arg4[%dma_wait3A_199, %dma_wait3A_206, %dma_wait3A_207] : memref<2x32x1024xf32, #tpu.memory_space<vmem>> -> memref<1x32x1024xf32, #tpu.memory_space<vmem>>
    %dma_wait3A_209 = tpu.memref_squeeze %dma_wait3A_208 : memref<1x32x1024xf32, #tpu.memory_space<vmem>> -> memref<32x1024xf32, #tpu.memory_space<vmem>>
    %dma_wait3A_210 = arith.constant 0 : i32
    %dma_wait3A_211 = tpu.memref_slice %arg2[%add3A_129, %dma_wait3A_210] : memref<8192x1024xf32, #tpu.memory_space<hbm>> -> memref<32x1024xf32, #tpu.memory_space<hbm>>
    tpu.wait_dma2 semaphore(%arg6 : memref<!tpu.dma_semaphore, #tpu.memory_space<semaphore_mem>>) src(%dma_wait3A_211 : memref<32x1024xf32, #tpu.memory_space<hbm>>) dst(%dma_wait3A_209 : memref<32x1024xf32, #tpu.memory_space<vmem>>)
    %add3A_212 = arith.constant 96 : i32
    %add3A_213 = arith.addi %mul3A_2, %add3A_212 : i32
    %dma_start3A_214 = arith.constant 1 : i32
    %dma_start3A_215 = arith.constant 0 : i32
    %dma_start3A_216 = arith.constant 0 : i32
    %dma_start3A_217 = tpu.memref_slice %arg4[%dma_start3A_214, %dma_start3A_215, %dma_start3A_216] : memref<2x32x1024xf32, #tpu.memory_space<vmem>> -> memref<1x32x1024xf32, #tpu.memory_space<vmem>>
    %dma_start3A_218 = tpu.memref_squeeze %dma_start3A_217 : memref<1x32x1024xf32, #tpu.memory_space<vmem>> -> memref<32x1024xf32, #tpu.memory_space<vmem>>
    %dma_start3A_219 = arith.constant 0 : i32
    %dma_start3A_220 = tpu.memref_slice %arg3[%add3A_213, %dma_start3A_219] : memref<8192x1024xf32, #tpu.memory_space<hbm>> -> memref<32x1024xf32, #tpu.memory_space<hbm>>
    %dma_start3A_221 = arith.constant 0 : i32
    %dma_start3A_222 = tpu.memref_slice %arg3[%add3A_213, %dma_start3A_221] : memref<8192x1024xf32, #tpu.memory_space<hbm>> -> memref<32x1024xf32, #tpu.memory_space<hbm>>
    %dma_start3A_223 = arith.constant 0 : i32
    %dma_start3A_224 = arith.constant 0 : i32
    %dma_start3A_225 = tpu.memref_slice %arg4[%dma_start3A_214, %dma_start3A_223, %dma_start3A_224] : memref<2x32x1024xf32, #tpu.memory_space<vmem>> -> memref<1x32x1024xf32, #tpu.memory_space<vmem>>
    %dma_start3A_226 = tpu.memref_squeeze %dma_start3A_225 : memref<1x32x1024xf32, #tpu.memory_space<vmem>> -> memref<32x1024xf32, #tpu.memory_space<vmem>>
    tpu.enqueue_dma source(%dma_start3A_226 : memref<32x1024xf32, #tpu.memory_space<vmem>>) target(%dma_start3A_222 : memref<32x1024xf32, #tpu.memory_space<hbm>>) target_semaphore(%arg8 : memref<!tpu.dma_semaphore, #tpu.memory_space<semaphore_mem>>)
    %dma_wait3A_227 = arith.constant 1 : i32
    %dma_wait3A_228 = arith.constant 0 : i32
    %dma_wait3A_229 = arith.constant 0 : i32
    %dma_wait3A_230 = tpu.memref_slice %arg4[%dma_wait3A_227, %dma_wait3A_228, %dma_wait3A_229] : memref<2x32x1024xf32, #tpu.memory_space<vmem>> -> memref<1x32x1024xf32, #tpu.memory_space<vmem>>
    %dma_wait3A_231 = tpu.memref_squeeze %dma_wait3A_230 : memref<1x32x1024xf32, #tpu.memory_space<vmem>> -> memref<32x1024xf32, #tpu.memory_space<vmem>>
    %dma_wait3A_232 = arith.constant 0 : i32
    %dma_wait3A_233 = tpu.memref_slice %arg3[%add3A_213, %dma_wait3A_232] : memref<8192x1024xf32, #tpu.memory_space<hbm>> -> memref<32x1024xf32, #tpu.memory_space<hbm>>
    %dma_wait3A_234 = arith.constant 0 : i32
    %dma_wait3A_235 = tpu.memref_slice %arg3[%add3A_213, %dma_wait3A_234] : memref<8192x1024xf32, #tpu.memory_space<hbm>> -> memref<32x1024xf32, #tpu.memory_space<hbm>>
    %dma_wait3A_236 = arith.constant 0 : i32
    %dma_wait3A_237 = arith.constant 0 : i32
    %dma_wait3A_238 = tpu.memref_slice %arg4[%dma_wait3A_227, %dma_wait3A_236, %dma_wait3A_237] : memref<2x32x1024xf32, #tpu.memory_space<vmem>> -> memref<1x32x1024xf32, #tpu.memory_space<vmem>>
    %dma_wait3A_239 = tpu.memref_squeeze %dma_wait3A_238 : memref<1x32x1024xf32, #tpu.memory_space<vmem>> -> memref<32x1024xf32, #tpu.memory_space<vmem>>
    tpu.wait_dma2 semaphore(%arg8 : memref<!tpu.dma_semaphore, #tpu.memory_space<semaphore_mem>>) src(%dma_wait3A_239 : memref<32x1024xf32, #tpu.memory_space<vmem>>) dst(%dma_wait3A_235 : memref<32x1024xf32, #tpu.memory_space<hbm>>)
    %add3A_240 = arith.constant 160 : i32
    %add3A_241 = arith.addi %mul3A_2, %add3A_240 : i32
    %dma_start3A_242 = arith.constant 1 : i32
    %dma_start3A_243 = arith.constant 0 : i32
    %dma_start3A_244 = arith.constant 0 : i32
    %dma_start3A_245 = tpu.memref_slice %arg4[%dma_start3A_242, %dma_start3A_243, %dma_start3A_244] : memref<2x32x1024xf32, #tpu.memory_space<vmem>> -> memref<1x32x1024xf32, #tpu.memory_space<vmem>>
    %dma_start3A_246 = tpu.memref_squeeze %dma_start3A_245 : memref<1x32x1024xf32, #tpu.memory_space<vmem>> -> memref<32x1024xf32, #tpu.memory_space<vmem>>
    %dma_start3A_247 = arith.constant 0 : i32
    %dma_start3A_248 = tpu.memref_slice %arg2[%add3A_241, %dma_start3A_247] : memref<8192x1024xf32, #tpu.memory_space<hbm>> -> memref<32x1024xf32, #tpu.memory_space<hbm>>
    %dma_start3A_249 = arith.constant 0 : i32
    %dma_start3A_250 = arith.constant 0 : i32
    %dma_start3A_251 = tpu.memref_slice %arg4[%dma_start3A_242, %dma_start3A_249, %dma_start3A_250] : memref<2x32x1024xf32, #tpu.memory_space<vmem>> -> memref<1x32x1024xf32, #tpu.memory_space<vmem>>
    %dma_start3A_252 = tpu.memref_squeeze %dma_start3A_251 : memref<1x32x1024xf32, #tpu.memory_space<vmem>> -> memref<32x1024xf32, #tpu.memory_space<vmem>>
    %dma_start3A_253 = arith.constant 0 : i32
    %dma_start3A_254 = tpu.memref_slice %arg2[%add3A_241, %dma_start3A_253] : memref<8192x1024xf32, #tpu.memory_space<hbm>> -> memref<32x1024xf32, #tpu.memory_space<hbm>>
    tpu.enqueue_dma source(%dma_start3A_254 : memref<32x1024xf32, #tpu.memory_space<hbm>>) target(%dma_start3A_252 : memref<32x1024xf32, #tpu.memory_space<vmem>>) target_semaphore(%arg6 : memref<!tpu.dma_semaphore, #tpu.memory_space<semaphore_mem>>)
    %dma_wait3A_255 = arith.constant 0 : i32
    %dma_wait3A_256 = arith.constant 0 : i32
    %dma_wait3A_257 = arith.constant 0 : i32
    %dma_wait3A_258 = tpu.memref_slice %arg4[%dma_wait3A_255, %dma_wait3A_256, %dma_wait3A_257] : memref<2x32x1024xf32, #tpu.memory_space<vmem>> -> memref<1x32x1024xf32, #tpu.memory_space<vmem>>
    %dma_wait3A_259 = tpu.memref_squeeze %dma_wait3A_258 : memref<1x32x1024xf32, #tpu.memory_space<vmem>> -> memref<32x1024xf32, #tpu.memory_space<vmem>>
    %dma_wait3A_260 = arith.constant 0 : i32
    %dma_wait3A_261 = tpu.memref_slice %arg2[%add3A_185, %dma_wait3A_260] : memref<8192x1024xf32, #tpu.memory_space<hbm>> -> memref<32x1024xf32, #tpu.memory_space<hbm>>
    %dma_wait3A_262 = arith.constant 0 : i32
    %dma_wait3A_263 = arith.constant 0 : i32
    %dma_wait3A_264 = tpu.memref_slice %arg4[%dma_wait3A_255, %dma_wait3A_262, %dma_wait3A_263] : memref<2x32x1024xf32, #tpu.memory_space<vmem>> -> memref<1x32x1024xf32, #tpu.memory_space<vmem>>
    %dma_wait3A_265 = tpu.memref_squeeze %dma_wait3A_264 : memref<1x32x1024xf32, #tpu.memory_space<vmem>> -> memref<32x1024xf32, #tpu.memory_space<vmem>>
    %dma_wait3A_266 = arith.constant 0 : i32
    %dma_wait3A_267 = tpu.memref_slice %arg2[%add3A_185, %dma_wait3A_266] : memref<8192x1024xf32, #tpu.memory_space<hbm>> -> memref<32x1024xf32, #tpu.memory_space<hbm>>
    tpu.wait_dma2 semaphore(%arg5 : memref<!tpu.dma_semaphore, #tpu.memory_space<semaphore_mem>>) src(%dma_wait3A_267 : memref<32x1024xf32, #tpu.memory_space<hbm>>) dst(%dma_wait3A_265 : memref<32x1024xf32, #tpu.memory_space<vmem>>)
    %add3A_268 = arith.constant 128 : i32
    %add3A_269 = arith.addi %mul3A_2, %add3A_268 : i32
    %dma_start3A_270 = arith.constant 0 : i32
    %dma_start3A_271 = arith.constant 0 : i32
    %dma_start3A_272 = arith.constant 0 : i32
    %dma_start3A_273 = tpu.memref_slice %arg4[%dma_start3A_270, %dma_start3A_271, %dma_start3A_272] : memref<2x32x1024xf32, #tpu.memory_space<vmem>> -> memref<1x32x1024xf32, #tpu.memory_space<vmem>>
    %dma_start3A_274 = tpu.memref_squeeze %dma_start3A_273 : memref<1x32x1024xf32, #tpu.memory_space<vmem>> -> memref<32x1024xf32, #tpu.memory_space<vmem>>
    %dma_start3A_275 = arith.constant 0 : i32
    %dma_start3A_276 = tpu.memref_slice %arg3[%add3A_269, %dma_start3A_275] : memref<8192x1024xf32, #tpu.memory_space<hbm>> -> memref<32x1024xf32, #tpu.memory_space<hbm>>
    %dma_start3A_277 = arith.constant 0 : i32
    %dma_start3A_278 = tpu.memref_slice %arg3[%add3A_269, %dma_start3A_277] : memref<8192x1024xf32, #tpu.memory_space<hbm>> -> memref<32x1024xf32, #tpu.memory_space<hbm>>
    %dma_start3A_279 = arith.constant 0 : i32
    %dma_start3A_280 = arith.constant 0 : i32
    %dma_start3A_281 = tpu.memref_slice %arg4[%dma_start3A_270, %dma_start3A_279, %dma_start3A_280] : memref<2x32x1024xf32, #tpu.memory_space<vmem>> -> memref<1x32x1024xf32, #tpu.memory_space<vmem>>
    %dma_start3A_282 = tpu.memref_squeeze %dma_start3A_281 : memref<1x32x1024xf32, #tpu.memory_space<vmem>> -> memref<32x1024xf32, #tpu.memory_space<vmem>>
    tpu.enqueue_dma source(%dma_start3A_282 : memref<32x1024xf32, #tpu.memory_space<vmem>>) target(%dma_start3A_278 : memref<32x1024xf32, #tpu.memory_space<hbm>>) target_semaphore(%arg7 : memref<!tpu.dma_semaphore, #tpu.memory_space<semaphore_mem>>)
    %dma_wait3A_283 = arith.constant 0 : i32
    %dma_wait3A_284 = arith.constant 0 : i32
    %dma_wait3A_285 = arith.constant 0 : i32
    %dma_wait3A_286 = tpu.memref_slice %arg4[%dma_wait3A_283, %dma_wait3A_284, %dma_wait3A_285] : memref<2x32x1024xf32, #tpu.memory_space<vmem>> -> memref<1x32x1024xf32, #tpu.memory_space<vmem>>
    %dma_wait3A_287 = tpu.memref_squeeze %dma_wait3A_286 : memref<1x32x1024xf32, #tpu.memory_space<vmem>> -> memref<32x1024xf32, #tpu.memory_space<vmem>>
    %dma_wait3A_288 = arith.constant 0 : i32
    %dma_wait3A_289 = tpu.memref_slice %arg3[%add3A_269, %dma_wait3A_288] : memref<8192x1024xf32, #tpu.memory_space<hbm>> -> memref<32x1024xf32, #tpu.memory_space<hbm>>
    %dma_wait3A_290 = arith.constant 0 : i32
    %dma_wait3A_291 = tpu.memref_slice %arg3[%add3A_269, %dma_wait3A_290] : memref<8192x1024xf32, #tpu.memory_space<hbm>> -> memref<32x1024xf32, #tpu.memory_space<hbm>>
    %dma_wait3A_292 = arith.constant 0 : i32
    %dma_wait3A_293 = arith.constant 0 : i32
    %dma_wait3A_294 = tpu.memref_slice %arg4[%dma_wait3A_283, %dma_wait3A_292, %dma_wait3A_293] : memref<2x32x1024xf32, #tpu.memory_space<vmem>> -> memref<1x32x1024xf32, #tpu.memory_space<vmem>>
    %dma_wait3A_295 = tpu.memref_squeeze %dma_wait3A_294 : memref<1x32x1024xf32, #tpu.memory_space<vmem>> -> memref<32x1024xf32, #tpu.memory_space<vmem>>
    tpu.wait_dma2 semaphore(%arg7 : memref<!tpu.dma_semaphore, #tpu.memory_space<semaphore_mem>>) src(%dma_wait3A_295 : memref<32x1024xf32, #tpu.memory_space<vmem>>) dst(%dma_wait3A_291 : memref<32x1024xf32, #tpu.memory_space<hbm>>)
    %add3A_296 = arith.constant 192 : i32
    %add3A_297 = arith.addi %mul3A_2, %add3A_296 : i32
    %dma_start3A_298 = arith.constant 0 : i32
    %dma_start3A_299 = arith.constant 0 : i32
    %dma_start3A_300 = arith.constant 0 : i32
    %dma_start3A_301 = tpu.memref_slice %arg4[%dma_start3A_298, %dma_start3A_299, %dma_start3A_300] : memref<2x32x1024xf32, #tpu.memory_space<vmem>> -> memref<1x32x1024xf32, #tpu.memory_space<vmem>>
    %dma_start3A_302 = tpu.memref_squeeze %dma_start3A_301 : memref<1x32x1024xf32, #tpu.memory_space<vmem>> -> memref<32x1024xf32, #tpu.memory_space<vmem>>
    %dma_start3A_303 = arith.constant 0 : i32
    %dma_start3A_304 = tpu.memref_slice %arg2[%add3A_297, %dma_start3A_303] : memref<8192x1024xf32, #tpu.memory_space<hbm>> -> memref<32x1024xf32, #tpu.memory_space<hbm>>
    %dma_start3A_305 = arith.constant 0 : i32
    %dma_start3A_306 = arith.constant 0 : i32
    %dma_start3A_307 = tpu.memref_slice %arg4[%dma_start3A_298, %dma_start3A_305, %dma_start3A_306] : memref<2x32x1024xf32, #tpu.memory_space<vmem>> -> memref<1x32x1024xf32, #tpu.memory_space<vmem>>
    %dma_start3A_308 = tpu.memref_squeeze %dma_start3A_307 : memref<1x32x1024xf32, #tpu.memory_space<vmem>> -> memref<32x1024xf32, #tpu.memory_space<vmem>>
    %dma_start3A_309 = arith.constant 0 : i32
    %dma_start3A_310 = tpu.memref_slice %arg2[%add3A_297, %dma_start3A_309] : memref<8192x1024xf32, #tpu.memory_space<hbm>> -> memref<32x1024xf32, #tpu.memory_space<hbm>>
    tpu.enqueue_dma source(%dma_start3A_310 : memref<32x1024xf32, #tpu.memory_space<hbm>>) target(%dma_start3A_308 : memref<32x1024xf32, #tpu.memory_space<vmem>>) target_semaphore(%arg5 : memref<!tpu.dma_semaphore, #tpu.memory_space<semaphore_mem>>)
    %dma_wait3A_311 = arith.constant 1 : i32
    %dma_wait3A_312 = arith.constant 0 : i32
    %dma_wait3A_313 = arith.constant 0 : i32
    %dma_wait3A_314 = tpu.memref_slice %arg4[%dma_wait3A_311, %dma_wait3A_312, %dma_wait3A_313] : memref<2x32x1024xf32, #tpu.memory_space<vmem>> -> memref<1x32x1024xf32, #tpu.memory_space<vmem>>
    %dma_wait3A_315 = tpu.memref_squeeze %dma_wait3A_314 : memref<1x32x1024xf32, #tpu.memory_space<vmem>> -> memref<32x1024xf32, #tpu.memory_space<vmem>>
    %dma_wait3A_316 = arith.constant 0 : i32
    %dma_wait3A_317 = tpu.memref_slice %arg2[%add3A_241, %dma_wait3A_316] : memref<8192x1024xf32, #tpu.memory_space<hbm>> -> memref<32x1024xf32, #tpu.memory_space<hbm>>
    %dma_wait3A_318 = arith.constant 0 : i32
    %dma_wait3A_319 = arith.constant 0 : i32
    %dma_wait3A_320 = tpu.memref_slice %arg4[%dma_wait3A_311, %dma_wait3A_318, %dma_wait3A_319] : memref<2x32x1024xf32, #tpu.memory_space<vmem>> -> memref<1x32x1024xf32, #tpu.memory_space<vmem>>
    %dma_wait3A_321 = tpu.memref_squeeze %dma_wait3A_320 : memref<1x32x1024xf32, #tpu.memory_space<vmem>> -> memref<32x1024xf32, #tpu.memory_space<vmem>>
    %dma_wait3A_322 = arith.constant 0 : i32
    %dma_wait3A_323 = tpu.memref_slice %arg2[%add3A_241, %dma_wait3A_322] : memref<8192x1024xf32, #tpu.memory_space<hbm>> -> memref<32x1024xf32, #tpu.memory_space<hbm>>
    tpu.wait_dma2 semaphore(%arg6 : memref<!tpu.dma_semaphore, #tpu.memory_space<semaphore_mem>>) src(%dma_wait3A_323 : memref<32x1024xf32, #tpu.memory_space<hbm>>) dst(%dma_wait3A_321 : memref<32x1024xf32, #tpu.memory_space<vmem>>)
    %add3A_324 = arith.constant 160 : i32
    %add3A_325 = arith.addi %mul3A_2, %add3A_324 : i32
    %dma_start3A_326 = arith.constant 1 : i32
    %dma_start3A_327 = arith.constant 0 : i32
    %dma_start3A_328 = arith.constant 0 : i32
    %dma_start3A_329 = tpu.memref_slice %arg4[%dma_start3A_326, %dma_start3A_327, %dma_start3A_328] : memref<2x32x1024xf32, #tpu.memory_space<vmem>> -> memref<1x32x1024xf32, #tpu.memory_space<vmem>>
    %dma_start3A_330 = tpu.memref_squeeze %dma_start3A_329 : memref<1x32x1024xf32, #tpu.memory_space<vmem>> -> memref<32x1024xf32, #tpu.memory_space<vmem>>
    %dma_start3A_331 = arith.constant 0 : i32
    %dma_start3A_332 = tpu.memref_slice %arg3[%add3A_325, %dma_start3A_331] : memref<8192x1024xf32, #tpu.memory_space<hbm>> -> memref<32x1024xf32, #tpu.memory_space<hbm>>
    %dma_start3A_333 = arith.constant 0 : i32
    %dma_start3A_334 = tpu.memref_slice %arg3[%add3A_325, %dma_start3A_333] : memref<8192x1024xf32, #tpu.memory_space<hbm>> -> memref<32x1024xf32, #tpu.memory_space<hbm>>
    %dma_start3A_335 = arith.constant 0 : i32
    %dma_start3A_336 = arith.constant 0 : i32
    %dma_start3A_337 = tpu.memref_slice %arg4[%dma_start3A_326, %dma_start3A_335, %dma_start3A_336] : memref<2x32x1024xf32, #tpu.memory_space<vmem>> -> memref<1x32x1024xf32, #tpu.memory_space<vmem>>
    %dma_start3A_338 = tpu.memref_squeeze %dma_start3A_337 : memref<1x32x1024xf32, #tpu.memory_space<vmem>> -> memref<32x1024xf32, #tpu.memory_space<vmem>>
    tpu.enqueue_dma source(%dma_start3A_338 : memref<32x1024xf32, #tpu.memory_space<vmem>>) target(%dma_start3A_334 : memref<32x1024xf32, #tpu.memory_space<hbm>>) target_semaphore(%arg8 : memref<!tpu.dma_semaphore, #tpu.memory_space<semaphore_mem>>)
    %dma_wait3A_339 = arith.constant 1 : i32
    %dma_wait3A_340 = arith.constant 0 : i32
    %dma_wait3A_341 = arith.constant 0 : i32
    %dma_wait3A_342 = tpu.memref_slice %arg4[%dma_wait3A_339, %dma_wait3A_340, %dma_wait3A_341] : memref<2x32x1024xf32, #tpu.memory_space<vmem>> -> memref<1x32x1024xf32, #tpu.memory_space<vmem>>
    %dma_wait3A_343 = tpu.memref_squeeze %dma_wait3A_342 : memref<1x32x1024xf32, #tpu.memory_space<vmem>> -> memref<32x1024xf32, #tpu.memory_space<vmem>>
    %dma_wait3A_344 = arith.constant 0 : i32
    %dma_wait3A_345 = tpu.memref_slice %arg3[%add3A_325, %dma_wait3A_344] : memref<8192x1024xf32, #tpu.memory_space<hbm>> -> memref<32x1024xf32, #tpu.memory_space<hbm>>
    %dma_wait3A_346 = arith.constant 0 : i32
    %dma_wait3A_347 = tpu.memref_slice %arg3[%add3A_325, %dma_wait3A_346] : memref<8192x1024xf32, #tpu.memory_space<hbm>> -> memref<32x1024xf32, #tpu.memory_space<hbm>>
    %dma_wait3A_348 = arith.constant 0 : i32
    %dma_wait3A_349 = arith.constant 0 : i32
    %dma_wait3A_350 = tpu.memref_slice %arg4[%dma_wait3A_339, %dma_wait3A_348, %dma_wait3A_349] : memref<2x32x1024xf32, #tpu.memory_space<vmem>> -> memref<1x32x1024xf32, #tpu.memory_space<vmem>>
    %dma_wait3A_351 = tpu.memref_squeeze %dma_wait3A_350 : memref<1x32x1024xf32, #tpu.memory_space<vmem>> -> memref<32x1024xf32, #tpu.memory_space<vmem>>
    tpu.wait_dma2 semaphore(%arg8 : memref<!tpu.dma_semaphore, #tpu.memory_space<semaphore_mem>>) src(%dma_wait3A_351 : memref<32x1024xf32, #tpu.memory_space<vmem>>) dst(%dma_wait3A_347 : memref<32x1024xf32, #tpu.memory_space<hbm>>)
    %add3A_352 = arith.constant 224 : i32
    %add3A_353 = arith.addi %mul3A_2, %add3A_352 : i32
    %dma_start3A_354 = arith.constant 1 : i32
    %dma_start3A_355 = arith.constant 0 : i32
    %dma_start3A_356 = arith.constant 0 : i32
    %dma_start3A_357 = tpu.memref_slice %arg4[%dma_start3A_354, %dma_start3A_355, %dma_start3A_356] : memref<2x32x1024xf32, #tpu.memory_space<vmem>> -> memref<1x32x1024xf32, #tpu.memory_space<vmem>>
    %dma_start3A_358 = tpu.memref_squeeze %dma_start3A_357 : memref<1x32x1024xf32, #tpu.memory_space<vmem>> -> memref<32x1024xf32, #tpu.memory_space<vmem>>
    %dma_start3A_359 = arith.constant 0 : i32
    %dma_start3A_360 = tpu.memref_slice %arg2[%add3A_353, %dma_start3A_359] : memref<8192x1024xf32, #tpu.memory_space<hbm>> -> memref<32x1024xf32, #tpu.memory_space<hbm>>
    %dma_start3A_361 = arith.constant 0 : i32
    %dma_start3A_362 = arith.constant 0 : i32
    %dma_start3A_363 = tpu.memref_slice %arg4[%dma_start3A_354, %dma_start3A_361, %dma_start3A_362] : memref<2x32x1024xf32, #tpu.memory_space<vmem>> -> memref<1x32x1024xf32, #tpu.memory_space<vmem>>
    %dma_start3A_364 = tpu.memref_squeeze %dma_start3A_363 : memref<1x32x1024xf32, #tpu.memory_space<vmem>> -> memref<32x1024xf32, #tpu.memory_space<vmem>>
    %dma_start3A_365 = arith.constant 0 : i32
    %dma_start3A_366 = tpu.memref_slice %arg2[%add3A_353, %dma_start3A_365] : memref<8192x1024xf32, #tpu.memory_space<hbm>> -> memref<32x1024xf32, #tpu.memory_space<hbm>>
    tpu.enqueue_dma source(%dma_start3A_366 : memref<32x1024xf32, #tpu.memory_space<hbm>>) target(%dma_start3A_364 : memref<32x1024xf32, #tpu.memory_space<vmem>>) target_semaphore(%arg6 : memref<!tpu.dma_semaphore, #tpu.memory_space<semaphore_mem>>)
    %dma_wait3A_367 = arith.constant 0 : i32
    %dma_wait3A_368 = arith.constant 0 : i32
    %dma_wait3A_369 = arith.constant 0 : i32
    %dma_wait3A_370 = tpu.memref_slice %arg4[%dma_wait3A_367, %dma_wait3A_368, %dma_wait3A_369] : memref<2x32x1024xf32, #tpu.memory_space<vmem>> -> memref<1x32x1024xf32, #tpu.memory_space<vmem>>
    %dma_wait3A_371 = tpu.memref_squeeze %dma_wait3A_370 : memref<1x32x1024xf32, #tpu.memory_space<vmem>> -> memref<32x1024xf32, #tpu.memory_space<vmem>>
    %dma_wait3A_372 = arith.constant 0 : i32
    %dma_wait3A_373 = tpu.memref_slice %arg2[%add3A_297, %dma_wait3A_372] : memref<8192x1024xf32, #tpu.memory_space<hbm>> -> memref<32x1024xf32, #tpu.memory_space<hbm>>
    %dma_wait3A_374 = arith.constant 0 : i32
    %dma_wait3A_375 = arith.constant 0 : i32
    %dma_wait3A_376 = tpu.memref_slice %arg4[%dma_wait3A_367, %dma_wait3A_374, %dma_wait3A_375] : memref<2x32x1024xf32, #tpu.memory_space<vmem>> -> memref<1x32x1024xf32, #tpu.memory_space<vmem>>
    %dma_wait3A_377 = tpu.memref_squeeze %dma_wait3A_376 : memref<1x32x1024xf32, #tpu.memory_space<vmem>> -> memref<32x1024xf32, #tpu.memory_space<vmem>>
    %dma_wait3A_378 = arith.constant 0 : i32
    %dma_wait3A_379 = tpu.memref_slice %arg2[%add3A_297, %dma_wait3A_378] : memref<8192x1024xf32, #tpu.memory_space<hbm>> -> memref<32x1024xf32, #tpu.memory_space<hbm>>
    tpu.wait_dma2 semaphore(%arg5 : memref<!tpu.dma_semaphore, #tpu.memory_space<semaphore_mem>>) src(%dma_wait3A_379 : memref<32x1024xf32, #tpu.memory_space<hbm>>) dst(%dma_wait3A_377 : memref<32x1024xf32, #tpu.memory_space<vmem>>)
    %add3A_380 = arith.constant 192 : i32
    %add3A_381 = arith.addi %mul3A_2, %add3A_380 : i32
    %dma_start3A_382 = arith.constant 0 : i32
    %dma_start3A_383 = arith.constant 0 : i32
    %dma_start3A_384 = arith.constant 0 : i32
    %dma_start3A_385 = tpu.memref_slice %arg4[%dma_start3A_382, %dma_start3A_383, %dma_start3A_384] : memref<2x32x1024xf32, #tpu.memory_space<vmem>> -> memref<1x32x1024xf32, #tpu.memory_space<vmem>>
    %dma_start3A_386 = tpu.memref_squeeze %dma_start3A_385 : memref<1x32x1024xf32, #tpu.memory_space<vmem>> -> memref<32x1024xf32, #tpu.memory_space<vmem>>
    %dma_start3A_387 = arith.constant 0 : i32
    %dma_start3A_388 = tpu.memref_slice %arg3[%add3A_381, %dma_start3A_387] : memref<8192x1024xf32, #tpu.memory_space<hbm>> -> memref<32x1024xf32, #tpu.memory_space<hbm>>
    %dma_start3A_389 = arith.constant 0 : i32
    %dma_start3A_390 = tpu.memref_slice %arg3[%add3A_381, %dma_start3A_389] : memref<8192x1024xf32, #tpu.memory_space<hbm>> -> memref<32x1024xf32, #tpu.memory_space<hbm>>
    %dma_start3A_391 = arith.constant 0 : i32
    %dma_start3A_392 = arith.constant 0 : i32
    %dma_start3A_393 = tpu.memref_slice %arg4[%dma_start3A_382, %dma_start3A_391, %dma_start3A_392] : memref<2x32x1024xf32, #tpu.memory_space<vmem>> -> memref<1x32x1024xf32, #tpu.memory_space<vmem>>
    %dma_start3A_394 = tpu.memref_squeeze %dma_start3A_393 : memref<1x32x1024xf32, #tpu.memory_space<vmem>> -> memref<32x1024xf32, #tpu.memory_space<vmem>>
    tpu.enqueue_dma source(%dma_start3A_394 : memref<32x1024xf32, #tpu.memory_space<vmem>>) target(%dma_start3A_390 : memref<32x1024xf32, #tpu.memory_space<hbm>>) target_semaphore(%arg7 : memref<!tpu.dma_semaphore, #tpu.memory_space<semaphore_mem>>)
    %dma_wait3A_395 = arith.constant 1 : i32
    %dma_wait3A_396 = arith.constant 0 : i32
    %dma_wait3A_397 = arith.constant 0 : i32
    %dma_wait3A_398 = tpu.memref_slice %arg4[%dma_wait3A_395, %dma_wait3A_396, %dma_wait3A_397] : memref<2x32x1024xf32, #tpu.memory_space<vmem>> -> memref<1x32x1024xf32, #tpu.memory_space<vmem>>
    %dma_wait3A_399 = tpu.memref_squeeze %dma_wait3A_398 : memref<1x32x1024xf32, #tpu.memory_space<vmem>> -> memref<32x1024xf32, #tpu.memory_space<vmem>>
    %dma_wait3A_400 = arith.constant 0 : i32
    %dma_wait3A_401 = tpu.memref_slice %arg2[%add3A_353, %dma_wait3A_400] : memref<8192x1024xf32, #tpu.memory_space<hbm>> -> memref<32x1024xf32, #tpu.memory_space<hbm>>
    %dma_wait3A_402 = arith.constant 0 : i32
    %dma_wait3A_403 = arith.constant 0 : i32
    %dma_wait3A_404 = tpu.memref_slice %arg4[%dma_wait3A_395, %dma_wait3A_402, %dma_wait3A_403] : memref<2x32x1024xf32, #tpu.memory_space<vmem>> -> memref<1x32x1024xf32, #tpu.memory_space<vmem>>
    %dma_wait3A_405 = tpu.memref_squeeze %dma_wait3A_404 : memref<1x32x1024xf32, #tpu.memory_space<vmem>> -> memref<32x1024xf32, #tpu.memory_space<vmem>>
    %dma_wait3A_406 = arith.constant 0 : i32
    %dma_wait3A_407 = tpu.memref_slice %arg2[%add3A_353, %dma_wait3A_406] : memref<8192x1024xf32, #tpu.memory_space<hbm>> -> memref<32x1024xf32, #tpu.memory_space<hbm>>
    tpu.wait_dma2 semaphore(%arg6 : memref<!tpu.dma_semaphore, #tpu.memory_space<semaphore_mem>>) src(%dma_wait3A_407 : memref<32x1024xf32, #tpu.memory_space<hbm>>) dst(%dma_wait3A_405 : memref<32x1024xf32, #tpu.memory_space<vmem>>)
    %add3A_408 = arith.constant 224 : i32
    %add3A_409 = arith.addi %mul3A_2, %add3A_408 : i32
    %dma_start3A_410 = arith.constant 1 : i32
    %dma_start3A_411 = arith.constant 0 : i32
    %dma_start3A_412 = arith.constant 0 : i32
    %dma_start3A_413 = tpu.memref_slice %arg4[%dma_start3A_410, %dma_start3A_411, %dma_start3A_412] : memref<2x32x1024xf32, #tpu.memory_space<vmem>> -> memref<1x32x1024xf32, #tpu.memory_space<vmem>>
    %dma_start3A_414 = tpu.memref_squeeze %dma_start3A_413 : memref<1x32x1024xf32, #tpu.memory_space<vmem>> -> memref<32x1024xf32, #tpu.memory_space<vmem>>
    %dma_start3A_415 = arith.constant 0 : i32
    %dma_start3A_416 = tpu.memref_slice %arg3[%add3A_409, %dma_start3A_415] : memref<8192x1024xf32, #tpu.memory_space<hbm>> -> memref<32x1024xf32, #tpu.memory_space<hbm>>
    %dma_start3A_417 = arith.constant 0 : i32
    %dma_start3A_418 = tpu.memref_slice %arg3[%add3A_409, %dma_start3A_417] : memref<8192x1024xf32, #tpu.memory_space<hbm>> -> memref<32x1024xf32, #tpu.memory_space<hbm>>
    %dma_start3A_419 = arith.constant 0 : i32
    %dma_start3A_420 = arith.constant 0 : i32
    %dma_start3A_421 = tpu.memref_slice %arg4[%dma_start3A_410, %dma_start3A_419, %dma_start3A_420] : memref<2x32x1024xf32, #tpu.memory_space<vmem>> -> memref<1x32x1024xf32, #tpu.memory_space<vmem>>
    %dma_start3A_422 = tpu.memref_squeeze %dma_start3A_421 : memref<1x32x1024xf32, #tpu.memory_space<vmem>> -> memref<32x1024xf32, #tpu.memory_space<vmem>>
    tpu.enqueue_dma source(%dma_start3A_422 : memref<32x1024xf32, #tpu.memory_space<vmem>>) target(%dma_start3A_418 : memref<32x1024xf32, #tpu.memory_space<hbm>>) target_semaphore(%arg8 : memref<!tpu.dma_semaphore, #tpu.memory_space<semaphore_mem>>)
    %dma_wait3A_423 = arith.constant 1 : i32
    %dma_wait3A_424 = arith.constant 0 : i32
    %dma_wait3A_425 = arith.constant 0 : i32
    %dma_wait3A_426 = tpu.memref_slice %arg4[%dma_wait3A_423, %dma_wait3A_424, %dma_wait3A_425] : memref<2x32x1024xf32, #tpu.memory_space<vmem>> -> memref<1x32x1024xf32, #tpu.memory_space<vmem>>
    %dma_wait3A_427 = tpu.memref_squeeze %dma_wait3A_426 : memref<1x32x1024xf32, #tpu.memory_space<vmem>> -> memref<32x1024xf32, #tpu.memory_space<vmem>>
    %dma_wait3A_428 = arith.constant 0 : i32
    %dma_wait3A_429 = tpu.memref_slice %arg3[%add3A_409, %dma_wait3A_428] : memref<8192x1024xf32, #tpu.memory_space<hbm>> -> memref<32x1024xf32, #tpu.memory_space<hbm>>
    %dma_wait3A_430 = arith.constant 0 : i32
    %dma_wait3A_431 = tpu.memref_slice %arg3[%add3A_409, %dma_wait3A_430] : memref<8192x1024xf32, #tpu.memory_space<hbm>> -> memref<32x1024xf32, #tpu.memory_space<hbm>>
    %dma_wait3A_432 = arith.constant 0 : i32
    %dma_wait3A_433 = arith.constant 0 : i32
    %dma_wait3A_434 = tpu.memref_slice %arg4[%dma_wait3A_423, %dma_wait3A_432, %dma_wait3A_433] : memref<2x32x1024xf32, #tpu.memory_space<vmem>> -> memref<1x32x1024xf32, #tpu.memory_space<vmem>>
    %dma_wait3A_435 = tpu.memref_squeeze %dma_wait3A_434 : memref<1x32x1024xf32, #tpu.memory_space<vmem>> -> memref<32x1024xf32, #tpu.memory_space<vmem>>
    tpu.wait_dma2 semaphore(%arg8 : memref<!tpu.dma_semaphore, #tpu.memory_space<semaphore_mem>>) src(%dma_wait3A_435 : memref<32x1024xf32, #tpu.memory_space<vmem>>) dst(%dma_wait3A_431 : memref<32x1024xf32, #tpu.memory_space<hbm>>)
    return
  }
}

</mosaic_0001>

<sc_bundles>
// kernel: kernel.3.cloned.1.call-start
scs
__scs_entry_jumppad:
0x0: {  	(pc) =	sbr.rel $0x88, $3  }
0x1: {  	(tag) =	ssettag $0x0;
	lr =	simm.s32 $0x1  }
0x2: {  	[smem:$0x3FA0] =	sst lr;
	_ =	strace $0xD0000000  }
0x3: {  	_ = 	snop  }
0x4: {  	_ = 	snop  }
0x5: {  	_ = 	snop  }
0x6: {  	_ = 	snop  }
0x7: {  	_ = 	snop  }
__scs_overlays_trampoline_lowered:
0x8: {  	[smem:$0x3FAF] =	sst s0  }
0x9: {  	[smem:$0x3FB0] =	sst s1  }
0xa: {  	[smem:$0x3FB1] =	sst s2  }
0xb: {  	[smem:$0x3FB2] =	sst s3  }
0xc: {  	[smem:$0x3FB3] =	sst s4  }
0xd: {  	[smem:$0x3FB4] =	sst s5  }
0xe: {  	[smem:$0x3FB5] =	sst s6  }
0xf: {  	[smem:$0x3FB6] =	sst s7  }
0x10: {  	[smem:$0x3FB7] =	sst s8  }
0x11: {  	[smem:$0x3FB8] =	sst s9;
	s0 =	simm.s32 @!p0 $0x0  }
0x12: {  	s1 =	sld [smem:$0x3F9E];
	s0 =	simm.s32 @p0 $0x1  }
0x13: {  	[smem:$0x3FB9] =	sst s0;
	s0 =	simm.s32 @!p1 $0x0  }
0x14: {  	s2 =	sld [smem:$0x3F9D];
	s0 =	simm.s32 @p1 $0x1  }
0x15: {  	[smem:$0x3FBA] =	sst s0;
	s0 =	simm.s32 @!p2 $0x0  }
0x16: {  	s3 =	sld [smem:$0x3FDB];
	s0 =	simm.s32 @p2 $0x1  }
0x17: {  	s4 =	simm.s32 $0x1BF5;
	[smem:$0x3FBC] =	sst s0  }
0x18: {  	s0 =	sld [smem:$0x3F9F];
	_ =	swait.ge [sflag:s4], $0x0  }
0x19: {  	s7 =	sld [smem:$0x3FA0]  }
0x1a: {  	s8 =	sadd.s32 $0xFFFFE003, lr  }
0x1b: {  	s9 =	sadd.s32 $0xFFFFFEF7, lr;
	s5 =	simm.s32 $0xFFFFFFFF;
	p2 =	slt.u32 s8, $0xFFFFF086  }
0x1c: {  	p1 =	slt.u32 s9, $0xF7A;
	s5 =	simm.s32 @!p2 $0x0  }
0x1d: {  	s5 =	simm.s32 @p1 $0x1;
	p0 =	seq.s32 s7, s2  }
0x1e: {  	s7 =	smul.u32 @!p0 $0xF7A, s2;
	p2 =	seq.s32 @!p0 s5, $0x0  }
0x1f: {  	s9 =	smul.u32 $0xF7A, s1;
	s8 =	simm.s32 @!p0 $0x1BF5;
	p2 =	por !p2, p0  }
0x20: {  	[sflag:s8] =	ssyncset.s32 @!p0 $0xFFFFF086;
	s6 =	sadd.s32 @!p0 s3, s7;
	s7 =	simm.s32 @!p0 $0x108  }
0x21: {  	s3 =	sadd.s32 s3, s9;
	s6 =	sadd.s32 @!p0 $0x88, s6;
	s7 =	simm.s32 @p2 $0x1082  }
0x22: {  	[simem:s7], [sflag:s8] =	dma.local @!p0 [hbm:s6], $0xF7A  }
0x23: {  	s9 =	sor.u32 $0xD0000000, s2;
	s6 =	simm.s32 $0x108;
	_ =	swait.ge @!p0 [sflag:s8], $0x0  }
0x24: {  	s3 =	sadd.s32 $0x88, s3;
	s6 =	simm.s32 @!p1 $0x1082;
	[sflag:s4] =	ssyncset.s32 $0xFFFFF086  }
0x25: {  	[simem:s6], [sflag:s4] =	dma.local [hbm:s3], $0xF7A  }
0x26: {  	[smem:$0x3FA0] =	sst s1;
	(tag) =	ssettag s2;
	_ =	strace s9  }
0x27: {  	s1 =	sld [smem:$0x3FB0]  }
0x28: {  	s2 =	sld [smem:$0x3FB1]  }
0x29: {  	s4 =	sld [smem:$0x3FB3]  }
0x2a: {  	p0 =	seq.s32 s5, $0x0;
	s5 =	sld [smem:$0x3FB4]  }
0x2b: {  	s6 =	sld [smem:$0x3FB5]  }
0x2c: {  	s7 =	sld [smem:$0x3FB6]  }
0x2d: {  	s3 =	simm.s32 $0x108;
	s8 =	sld [smem:$0x3FB7]  }
0x2e: {  	s3 =	simm.s32 @!p0 $0x1082;
	s9 =	sld [smem:$0x3FB8]  }
0x2f: {  	lr =	sadd.s32 s0, s3;
	s0 =	sld [smem:$0x3FAF]  }
0x30: {  	s3 =	sld [smem:$0x3FB2]  }
0x31: {  	[smem:$0x3FBB] =	sst s10  }
0x32: {  	s10 =	sld [smem:$0x3FB9];
	_ =	sdelay $0x3  }
0x33: {  	p0 =	seq.s32 s10, $0x1;
	s10 =	sld [smem:$0x3FBB];
	_ =	sdelay $0x3  }
0x34: {  	[smem:$0x3FBB] =	sst s10  }
0x35: {  	s10 =	sld [smem:$0x3FBA];
	_ =	sdelay $0x3  }
0x36: {  	p1 =	seq.s32 s10, $0x1;
	s10 =	sld [smem:$0x3FBB];
	_ =	sdelay $0x3  }
0x37: {  	[smem:$0x3FBB] =	sst s10  }
0x38: {  	s10 =	sld [smem:$0x3FBC]  }
0x39: {  	_ = 	snop;
	(pc) =	sbr.ind lr, $3  }
0x3a: {  	_ = 	snop  }
0x3b: {  	_ = 	snop  }
0x3c: {  	p2 =	seq.s32 s10, $0x1;
	s10 =	sld [smem:$0x3FBB]  }
0x3d: {  	_ =	shalt  }
0x3e: {  	_ =	shalt  }
0x3f: {  	_ =	shalt  }
0x40: {  	_ =	shalt  }
0x41: {  	_ =	shalt  }
0x42: {  	_ =	shalt  }
0x43: {  	_ =	shalt  }
0x44: {  	_ =	shalt  }
0x45: {  	_ =	shalt  }
0x46: {  	_ =	shalt  }
0x47: {  	_ =	shalt  }
0x48: {  	_ =	shalt  }
0x49: {  	_ =	shalt  }
0x4a: {  	_ =	shalt  }
0x4b: {  	_ =	shalt  }
0x4c: {  	_ =	shalt  }
0x4d: {  	_ =	shalt  }
0x4e: {  	_ =	shalt  }
0x4f: {  	_ =	shalt  }
0x50: {  	_ =	shalt  }
0x51: {  	_ =	shalt  }
0x52: {  	_ =	shalt  }
0x53: {  	_ =	shalt  }
0x54: {  	_ =	shalt  }
0x55: {  	_ =	shalt  }
0x56: {  	_ =	shalt  }
0x57: {  	_ =	shalt  }
0x58: {  	_ =	shalt  }
0x59: {  	_ =	shalt  }
0x5a: {  	_ =	shalt  }
0x5b: {  	_ =	shalt  }
0x5c: {  	_ =	shalt  }
0x5d: {  	_ =	shalt  }
0x5e: {  	_ =	shalt  }
0x5f: {  	_ =	shalt  }
0x60: {  	_ =	shalt  }
0x61: {  	_ =	shalt  }
0x62: {  	_ =	shalt  }
0x63: {  	_ =	shalt  }
0x64: {  	_ =	shalt  }
0x65: {  	_ =	shalt  }
0x66: {  	_ =	shalt  }
0x67: {  	_ =	shalt  }
0x68: {  	_ =	shalt  }
0x69: {  	_ =	shalt  }
0x6a: {  	_ =	shalt  }
0x6b: {  	_ =	shalt  }
0x6c: {  	_ =	shalt  }
0x6d: {  	_ =	shalt  }
0x6e: {  	_ =	shalt  }
0x6f: {  	_ =	shalt  }
0x70: {  	_ =	shalt  }
0x71: {  	_ =	shalt  }
0x72: {  	_ =	shalt  }
0x73: {  	_ =	shalt  }
0x74: {  	_ =	shalt  }
0x75: {  	_ =	shalt  }
0x76: {  	_ =	shalt  }
0x77: {  	_ =	shalt  }
0x78: {  	_ =	shalt  }
0x79: {  	_ =	shalt  }
0x7a: {  	_ =	shalt  }
0x7b: {  	_ =	shalt  }
0x7c: {  	_ =	shalt  }
0x7d: {  	_ =	shalt  }
0x7e: {  	_ =	shalt  }
0x7f: {  	_ =	shalt  }
0x80: {  	_ =	shalt  }
0x81: {  	_ =	shalt  }
0x82: {  	_ =	shalt  }
0x83: {  	_ =	shalt  }
0x84: {  	_ =	shalt  }
0x85: {  	_ =	shalt  }
0x86: {  	_ =	shalt  }
0x87: {  	_ =	shalt  }
.Lfunc_end0:
.L_simem_size_0:
called_computation_lowered:
.L_overlay_start_0:
0x88: {  	s2 =	sld [smem:$0x3FD9]  }
0x89: {  	s3 =	sld [smem:$0x3FFE];
	_ =	sdelay $0x1  }
0x8a: {  	s1 =	srdreg.scid  }
0x8b: {  	s0 =	sand.u32 $0x1, s1  }
0x8c: {  	s18 =	sshll.u32 s0, $0xA;
	s2 =	sadd.s32 s3, s2  }
0x8d: {  	s2 =	sadd.s32 s2, s18  }
0x8e: {  	[smem:$0x3FC7] =	sst s2  }
0x8f: {  	_ = 	snop  }
0x90: {  	s2 =	sld [smem:$0x3FC9]  }
0x91: {  	s19 =	sld [smem:$0x3FD0];
	(tm) =	ssettm $0x1  }
0x92: {  	s4 =	sld [smem:$0x3FFB];
	_ =	sdelay $0x3  }
0x93: {  	_ =	strace s4  }
0x94: {  	s4 =	sld [smem:$0x3FFC];
	_ =	sdelay $0x3  }
0x95: {  	_ =	strace s4  }
0x96: {  	s4 =	sld [smem:$0x3FFD];
	_ =	sdelay $0x3  }
0x97: {  	_ =	strace s4  }
0x98: {  	_ =	strace $0x8FFFFFFF  }
0x99: {  	s20 =	sld [smem:$0x3FDB];
	_ =	sdelay $0x1  }
0x9a: {  	s5 =	simm.s32 $_scs_section_size  }
0x9b: {  	s6 =	simm.s32 $_size__tile_overlayer_lowered;
	s7 =	simm.s32 $_tile_overlayer_lowered  }
0x9c: {  	s23 =	simm.s32 $0x1BFF;
	s22 =	sshll.u32 s7, $0x1;
	s4 =	sadd.s32 s5, s20  }
0x9d: {  	s8 =	simm.s32 $0x0;
	s21 =	sshll.u32 s6, $0x1;
	s6 =	sadd.s32 s22, s4  }
0x9e: {  	[timem:s8], [sflag:s23] =	dma.local [hbm:s6], s21  }
0x9f: {  	_ =	swait.ge [sflag:s23], s21  }
0xa0: {  	s5 =	ssub.s32 $0x0, s21;
	[sflag:s23] =	ssyncset.done $0x0  }
0xa1: {  	[sflag:s23] =	ssyncadd.s32 s5;
	_ =	sdelay $0x1  }
0xa2: {  	s24 =	simm.s32 $0x1B8B  }
0xa3: {  	_ =	swait.ge [sflag:s24], $0x1  }
0xa4: {  	[sflag:s24] =	ssyncset.done $0x0  }
0xa5: {  	s25 =	simm.s32 $0x1B8E;
	[sflag:s24] =	ssyncadd.s32 $0xFFFFFFFF  }
0xa6: {  	s26 =	simm.s32 $execute0_lowered;
	[smem:$0x3FD2] =	sst s25  }
0xa7: {  	s5 =	sshll.u32 s26, $0x1;
	_ =	strace $0x80000046;
	[dreg:$0x1] =	wrdreg $0xFFFFFFFF  }
0xa8: {  	s28 =	simm.s32 $_size_execute0_lowered;
	s4 =	sadd.s32 s4, s5;
	[dreg:$0x0] =	wrdreg $0x0  }
0xa9: {  	s5 =	sshll.u32 s28, $0x1;
	[dreg:$0x2] =	wrdreg s4  }
0xaa: {  	[dreg:$0x3] =	wrdreg s5  }
0xab: {  	[dreg:$0x4] =	wrdreg $0xC0  }
0xac: {  	_ =	task [dreg:s8], $0x5FFFF  }
0xad: {  	[dreg:$0x1] =	wrdreg $0xFFFFFFFF  }
0xae: {  	[dreg:$0x0] =	wrdreg $0x60  }
0xaf: {  	[dreg:$0x2] =	wrdreg s2  }
0xb0: {  	[dreg:$0x3] =	wrdreg s19  }
0xb1: {  	[dreg:$0x4] =	wrdreg $0x9  }
0xb2: {  	_ =	task.clear_ibuf [dreg:s8], $0x5FFFF;
	_ =	strace $0x90000046  }
0xb3: {  	s29 =	simm.s32 $0x9;
	_ =	strace $0x80000048  }
0xb4: {  	_ =	swait.ge [sflag:s29], $0x1  }
0xb5: {  	[sflag:s29] =	ssyncadd.s32 $0xFFFFFFFF  }
0xb6: {  	_ =	strace $0x90000048  }
0xb7: {  	_ =	sfence  }
0xb8: {  	s30 =	sld [smem:$0x0];
	_ =	sdelay $0x2  }
0xb9: {  	s31 =	sshll.u32 s1, $0xD;
	s1 =	sshrl.u32 s1, $0x2  }
0xba: {  	s3 =	sand.u32 $0x4000, s31;
	s1 =	sadd.s32 s1, s30  }
0xbb: {  	s0 =	sor.u32 s3, s0;
	s1 =	sshll.u32 s1, $0x11  }
0xbc: {  	s0 =	sor.u32 s1, s0  }
0xbd: {  	s0 =	sadd.s32 $0x8F2B, s0  }
0xbe: {  	[sflag:s0] =	ssyncadd.remote.s32 $0x1  }
0xbf: {  	_ =	sfence.sel $0xFFFF  }
0xc0: {  	[dreg:$0x0] =	wrdreg $0xFFFFFFFF;
	(pc) =	sbr.abs _section_cstart, $3  }
0xc1: {  	[dreg:$0x1] =	wrdreg $0xFFFFFFFF  }
0xc2: {  	_ =	task.clear_ibuf [dreg:s8], $0x2FFFF;
	_ =	strace $0x9FFFFFFF  }
0xc3: {  	(tm) =	ssettm $0x7FFFFFFF  }
tec
execute0_lowered:
.L_overlay_start_1:
0x0: {  	(tag) =	ssettag $0x1  }
0x1: {  	s21 =	rddreg [dreg:$0x0]  }
0x2: {  	s23 =	rddreg [dreg:$0x1];
	s2 =	srdreg.scid  }
0x3: {  	s0 =	rddreg [dreg:$0x2];
	s1 =	stileid.u32;
	s22 =	sand.u32 $0x1, s2  }
0x4: {  	s2 =	simm.s32 $0x0;
	s3 =	sshll.u32 s1, $0x10;
	s4 =	sshll.u32 s22, $0xF  }
0x5: {  	[smem:$0x7FF] =	sst s2;
	s24 =	sor.u32 s4, s3  }
0x6: {  	_ =	strace $0x80000047;
	s3 =	sadd.s32 s21, s24;
	s11 =	sor.u32 $0x1000, s24  }
0x7: {  	[tilespmem:s2], [sflag:$0x1] =	stream.linear.gather [hbm4b:s3+s2], $0x8000, $0x38;
	[tilespmem:$0x10000] =	vst v63  }
0x8: {  	s5 =	simm.s32 $0x8000;
	s6 =	simm.s32 $0x1;
	s4 =	sadd.s32 s21, s11  }
0x9: {  	[tilespmem:s5], [sflag:$0x2] =	stream.linear.gather [hbm4b:s4+s2], $0x8000, $0x38;
	[tilespmem:$0x10000] =	vst v63  }
0xa: {  	_ =	swait.ge [sflag:s6], $0x8000  }
0xb: {  	[sflag:s6] =	ssyncset.done $0x0  }
0xc: {  	s8 =	simm.s32 $0x3;
	s7 =	sadd.s32 s23, s24;
	[sflag:s6] =	ssyncadd.s32 $0xFFFF8000  }
0xd: {  	[hbm4b:s7+s2] =	stream.linear.scatter [tilespmem:s2], [sflag:$0x3], $0x8000, $0x38;
	[tilespmem:$0x10000] =	vst v63  }
0xe: {  	_ =	swait.ge [sflag:s8], $0x8000  }
0xf: {  	s14 =	sor.u32 $0x2000, s24;
	[sflag:s8] =	ssyncset.done $0x0  }
0x10: {  	s10 =	simm.s32 $0x2;
	s9 =	sadd.s32 s21, s14;
	[sflag:s8] =	ssyncadd.s32 $0xFFFF8000  }
0x11: {  	[tilespmem:s2], [sflag:$0x1] =	stream.linear.gather [hbm4b:s9+s2], $0x8000, $0x38;
	[tilespmem:$0x10000] =	vst v63  }
0x12: {  	_ =	swait.ge [sflag:s10], $0x8000  }
0x13: {  	[sflag:s10] =	ssyncset.done $0x0  }
0x14: {  	s12 =	sadd.s32 s23, s11;
	s11 =	simm.s32 $0x4;
	[sflag:s10] =	ssyncadd.s32 $0xFFFF8000  }
0x15: {  	[hbm4b:s12+s2] =	stream.linear.scatter [tilespmem:s5], [sflag:$0x4], $0x8000, $0x38;
	[tilespmem:$0x10000] =	vst v63  }
0x16: {  	_ =	swait.ge [sflag:s11], $0x8000  }
0x17: {  	s16 =	sor.u32 $0x3000, s24;
	[sflag:s11] =	ssyncset.done $0x0  }
0x18: {  	s13 =	sadd.s32 s21, s16;
	[sflag:s11] =	ssyncadd.s32 $0xFFFF8000  }
0x19: {  	[tilespmem:s5], [sflag:$0x2] =	stream.linear.gather [hbm4b:s13+s2], $0x8000, $0x38;
	[tilespmem:$0x10000] =	vst v63  }
0x1a: {  	_ =	swait.ge [sflag:s6], $0x8000  }
0x1b: {  	[sflag:s6] =	ssyncset.done $0x0  }
0x1c: {  	s14 =	sadd.s32 s23, s14;
	[sflag:s6] =	ssyncadd.s32 $0xFFFF8000  }
0x1d: {  	[hbm4b:s14+s2] =	stream.linear.scatter [tilespmem:s2], [sflag:$0x3], $0x8000, $0x38;
	[tilespmem:$0x10000] =	vst v63  }
0x1e: {  	_ =	swait.ge [sflag:s8], $0x8000  }
0x1f: {  	s18 =	sor.u32 $0x4000, s24;
	[sflag:s8] =	ssyncset.done $0x0  }
0x20: {  	s15 =	sadd.s32 s21, s18;
	[sflag:s8] =	ssyncadd.s32 $0xFFFF8000  }
0x21: {  	[tilespmem:s2], [sflag:$0x1] =	stream.linear.gather [hbm4b:s15+s2], $0x8000, $0x38;
	[tilespmem:$0x10000] =	vst v63  }
0x22: {  	_ =	swait.ge [sflag:s10], $0x8000  }
0x23: {  	[sflag:s10] =	ssyncset.done $0x0  }
0x24: {  	s16 =	sadd.s32 s23, s16;
	[sflag:s10] =	ssyncadd.s32 $0xFFFF8000  }
0x25: {  	[hbm4b:s16+s2] =	stream.linear.scatter [tilespmem:s5], [sflag:$0x4], $0x8000, $0x38;
	[tilespmem:$0x10000] =	vst v63  }
0x26: {  	_ =	swait.ge [sflag:s11], $0x8000  }
0x27: {  	s20 =	sor.u32 $0x5000, s24;
	[sflag:s11] =	ssyncset.done $0x0  }
0x28: {  	s17 =	sadd.s32 s21, s20;
	[sflag:s11] =	ssyncadd.s32 $0xFFFF8000  }
0x29: {  	[tilespmem:s5], [sflag:$0x2] =	stream.linear.gather [hbm4b:s17+s2], $0x8000, $0x38;
	[tilespmem:$0x10000] =	vst v63  }
0x2a: {  	_ =	swait.ge [sflag:s6], $0x8000  }
0x2b: {  	[sflag:s6] =	ssyncset.done $0x0  }
0x2c: {  	s18 =	sadd.s32 s23, s18;
	[sflag:s6] =	ssyncadd.s32 $0xFFFF8000  }
0x2d: {  	[hbm4b:s18+s2] =	stream.linear.scatter [tilespmem:s2], [sflag:$0x3], $0x8000, $0x38;
	[tilespmem:$0x10000] =	vst v63  }
0x2e: {  	_ =	swait.ge [sflag:s8], $0x8000  }
0x2f: {  	s25 =	sor.u32 $0x6000, s24;
	[sflag:s8] =	ssyncset.done $0x0  }
0x30: {  	s19 =	sadd.s32 s21, s25;
	[sflag:s8] =	ssyncadd.s32 $0xFFFF8000  }
0x31: {  	[tilespmem:s2], [sflag:$0x1] =	stream.linear.gather [hbm4b:s19+s2], $0x8000, $0x38;
	[tilespmem:$0x10000] =	vst v63  }
0x32: {  	_ =	swait.ge [sflag:s10], $0x8000  }
0x33: {  	[sflag:s10] =	ssyncset.done $0x0  }
0x34: {  	s20 =	sadd.s32 s23, s20;
	[sflag:s10] =	ssyncadd.s32 $0xFFFF8000  }
0x35: {  	[hbm4b:s20+s2] =	stream.linear.scatter [tilespmem:s5], [sflag:$0x4], $0x8000, $0x38;
	[tilespmem:$0x10000] =	vst v63  }
0x36: {  	_ =	swait.ge [sflag:s11], $0x8000  }
0x37: {  	s24 =	sor.u32 $0x7000, s24;
	[sflag:s11] =	ssyncset.done $0x0  }
0x38: {  	s26 =	ssub.s32 $0x2, s22;
	s21 =	sadd.s32 s21, s24;
	[sflag:s11] =	ssyncadd.s32 $0xFFFF8000  }
0x39: {  	[tilespmem:s5], [sflag:$0x2] =	stream.linear.gather [hbm4b:s21+s2], $0x8000, $0x38;
	[tilespmem:$0x10000] =	vst v63  }
0x3a: {  	s30 =	sshrl.u32 s26, $0x1;
	_ =	swait.ge [sflag:s6], $0x8000  }
0x3b: {  	s22 =	sadd.s32 s23, s25;
	s25 =	ssub.s32 s26, s30;
	[sflag:s6] =	ssyncset.done $0x0  }
0x3c: {  	s31 =	smax.u32 s25, $0x1;
	[sflag:s6] =	ssyncadd.s32 $0xFFFF8000  }
0x3d: {  	[hbm4b:s22+s2] =	stream.linear.scatter [tilespmem:s2], [sflag:$0x3], $0x8000, $0x38;
	[tilespmem:$0x10000] =	vst v63  }
0x3e: {  	p0 =	sne.s32 s31, $0x1;
	_ =	swait.ge [sflag:s10], $0x8000  }
.Ltmp0:
0x3f: {  	[sflag:s10] =	ssyncset.done $0x0;
	(pc) =	sbr.rel @!p0 .LBB2_2-.Ltmp0, $4  }
0x40: {  	s23 =	sadd.s32 s23, s24;
	[sflag:s10] =	ssyncadd.s32 $0xFFFF8000  }
0x41: {  	[hbm4b:s23+s2] =	stream.linear.scatter [tilespmem:s5], [sflag:$0x4], $0x8000, $0x38;
	[tilespmem:$0x10000] =	vst v63  }
0x42: {  	_ =	swait.ge [sflag:s11], $0x8000  }
0x43: {  	s24 =	sadd.s32 $0xFFFFFFFF, s31;
	[sflag:s11] =	ssyncset.done $0x0  }
.LBB2_1:
0x44: {  	p0 =	sne.s32 s24, $0x1;
	s24 =	sadd.s32 $0xFFFFFFFF, s24;
	[sflag:s11] =	ssyncadd.s32 $0xFFFF8000  }
0x45: {  	[tilespmem:s2], [sflag:$0x1] =	stream.linear.gather [hbm4b:s3+s2], $0x8000, $0x38;
	[tilespmem:$0x10000] =	vst v63  }
0x46: {  	_ = 	snop  }
0x47: {  	[tilespmem:s5], [sflag:$0x2] =	stream.linear.gather [hbm4b:s4+s2], $0x8000, $0x38;
	[tilespmem:$0x10000] =	vst v63  }
0x48: {  	_ =	swait.ge [sflag:s6], $0x8000  }
0x49: {  	[sflag:s6] =	ssyncset.done $0x0  }
0x4a: {  	[sflag:s6] =	ssyncadd.s32 $0xFFFF8000  }
0x4b: {  	[hbm4b:s7+s2] =	stream.linear.scatter [tilespmem:s2], [sflag:$0x3], $0x8000, $0x38;
	[tilespmem:$0x10000] =	vst v63  }
0x4c: {  	_ =	swait.ge [sflag:s8], $0x8000  }
0x4d: {  	[sflag:s8] =	ssyncset.done $0x0  }
0x4e: {  	[sflag:s8] =	ssyncadd.s32 $0xFFFF8000  }
0x4f: {  	[tilespmem:s2], [sflag:$0x1] =	stream.linear.gather [hbm4b:s9+s2], $0x8000, $0x38;
	[tilespmem:$0x10000] =	vst v63  }
0x50: {  	_ =	swait.ge [sflag:s10], $0x8000  }
0x51: {  	[sflag:s10] =	ssyncset.done $0x0  }
0x52: {  	[sflag:s10] =	ssyncadd.s32 $0xFFFF8000  }
0x53: {  	[hbm4b:s12+s2] =	stream.linear.scatter [tilespmem:s5], [sflag:$0x4], $0x8000, $0x38;
	[tilespmem:$0x10000] =	vst v63  }
0x54: {  	_ =	swait.ge [sflag:s11], $0x8000  }
0x55: {  	[sflag:s11] =	ssyncset.done $0x0  }
0x56: {  	[sflag:s11] =	ssyncadd.s32 $0xFFFF8000  }
0x57: {  	[tilespmem:s5], [sflag:$0x2] =	stream.linear.gather [hbm4b:s13+s2], $0x8000, $0x38;
	[tilespmem:$0x10000] =	vst v63  }
0x58: {  	_ =	swait.ge [sflag:s6], $0x8000  }
0x59: {  	[sflag:s6] =	ssyncset.done $0x0  }
0x5a: {  	[sflag:s6] =	ssyncadd.s32 $0xFFFF8000  }
0x5b: {  	[hbm4b:s14+s2] =	stream.linear.scatter [tilespmem:s2], [sflag:$0x3], $0x8000, $0x38;
	[tilespmem:$0x10000] =	vst v63  }
0x5c: {  	_ =	swait.ge [sflag:s8], $0x8000  }
0x5d: {  	[sflag:s8] =	ssyncset.done $0x0  }
0x5e: {  	[sflag:s8] =	ssyncadd.s32 $0xFFFF8000  }
0x5f: {  	[tilespmem:s2], [sflag:$0x1] =	stream.linear.gather [hbm4b:s15+s2], $0x8000, $0x38;
	[tilespmem:$0x10000] =	vst v63  }
0x60: {  	_ =	swait.ge [sflag:s10], $0x8000  }
0x61: {  	[sflag:s10] =	ssyncset.done $0x0  }
0x62: {  	[sflag:s10] =	ssyncadd.s32 $0xFFFF8000  }
0x63: {  	[hbm4b:s16+s2] =	stream.linear.scatter [tilespmem:s5], [sflag:$0x4], $0x8000, $0x38;
	[tilespmem:$0x10000] =	vst v63  }
0x64: {  	_ =	swait.ge [sflag:s11], $0x8000  }
0x65: {  	[sflag:s11] =	ssyncset.done $0x0  }
0x66: {  	[sflag:s11] =	ssyncadd.s32 $0xFFFF8000  }
0x67: {  	[tilespmem:s5], [sflag:$0x2] =	stream.linear.gather [hbm4b:s17+s2], $0x8000, $0x38;
	[tilespmem:$0x10000] =	vst v63  }
0x68: {  	_ =	swait.ge [sflag:s6], $0x8000  }
0x69: {  	[sflag:s6] =	ssyncset.done $0x0  }
0x6a: {  	[sflag:s6] =	ssyncadd.s32 $0xFFFF8000  }
0x6b: {  	[hbm4b:s18+s2] =	stream.linear.scatter [tilespmem:s2], [sflag:$0x3], $0x8000, $0x38;
	[tilespmem:$0x10000] =	vst v63  }
0x6c: {  	_ =	swait.ge [sflag:s8], $0x8000  }
0x6d: {  	[sflag:s8] =	ssyncset.done $0x0  }
0x6e: {  	[sflag:s8] =	ssyncadd.s32 $0xFFFF8000  }
0x6f: {  	[tilespmem:s2], [sflag:$0x1] =	stream.linear.gather [hbm4b:s19+s2], $0x8000, $0x38;
	[tilespmem:$0x10000] =	vst v63  }
0x70: {  	_ =	swait.ge [sflag:s10], $0x8000  }
0x71: {  	[sflag:s10] =	ssyncset.done $0x0  }
0x72: {  	[sflag:s10] =	ssyncadd.s32 $0xFFFF8000  }
0x73: {  	[hbm4b:s20+s2] =	stream.linear.scatter [tilespmem:s5], [sflag:$0x4], $0x8000, $0x38;
	[tilespmem:$0x10000] =	vst v63  }
0x74: {  	_ =	swait.ge [sflag:s11], $0x8000  }
0x75: {  	[sflag:s11] =	ssyncset.done $0x0  }
0x76: {  	[sflag:s11] =	ssyncadd.s32 $0xFFFF8000  }
0x77: {  	[tilespmem:s5], [sflag:$0x2] =	stream.linear.gather [hbm4b:s21+s2], $0x8000, $0x38;
	[tilespmem:$0x10000] =	vst v63  }
0x78: {  	_ =	swait.ge [sflag:s6], $0x8000  }
0x79: {  	[sflag:s6] =	ssyncset.done $0x0  }
0x7a: {  	[sflag:s6] =	ssyncadd.s32 $0xFFFF8000  }
0x7b: {  	[hbm4b:s22+s2] =	stream.linear.scatter [tilespmem:s2], [sflag:$0x3], $0x8000, $0x38;
	[tilespmem:$0x10000] =	vst v63  }
0x7c: {  	_ =	swait.ge [sflag:s10], $0x8000  }
.Ltmp1:
0x7d: {  	[sflag:s10] =	ssyncset.done $0x0;
	(pc) =	sbr.rel @p0 .LBB2_1-.Ltmp1, $4  }
0x7e: {  	[sflag:s10] =	ssyncadd.s32 $0xFFFF8000  }
0x7f: {  	[hbm4b:s23+s2] =	stream.linear.scatter [tilespmem:s5], [sflag:$0x4], $0x8000, $0x38;
	[tilespmem:$0x10000] =	vst v63  }
0x80: {  	_ =	swait.ge [sflag:s11], $0x8000  }
0x81: {  	[sflag:s11] =	ssyncset.done $0x0  }
.LBB2_2:
0x82: {  	[sflag:s11] =	ssyncadd.s32 $0xFFFF8000  }
0x83: {  	_ =	sfence.sel $0x180000  }
0x84: {  	[bflag:$0x0] =	sbarrier.arrive $0xFFFF  }
0x85: {  	p0 =	sne.s32 s1, $0x0;
	_ =	strace $0x90000047  }
0x86: {  	s0 =	sadd.s32 @!p0 $0x100000, s0;
	[bflag:$0x2] =	sbarrier.arrive $0xFFFF  }
0x87: {  	[sflag:s0] =	ssyncadd.tile.s32 @!p0 $0x1;
	_ =	shalt  }
.Lfunc_end2:
_tile_overlayer_lowered:
.L_overlay_start_2:
0x88: {  	(tag) =	ssettag $0x2  }
0x89: {  	s0 =	rddreg [dreg:$0x0];
	s2 =	stileid.u32  }
0x8a: {  	s1 =	rddreg [dreg:$0x1];
	p0 =	sne.s32 s2, $0x0  }
0x8b: {  	s3 =	rddreg [dreg:$0x2];
	[bflag:$0x3] =	sbarrier.arrive $0xFFFF;
	s2 =	simm.s32 @!p0 $0x1C05  }
0x8c: {  	[timem:s3], [sflag:s2] =	dma.local @!p0 [hbm:s0], s1  }
0x8d: {  	s0 =	simm.s32 @!p0 $0x5  }
0x8e: {  	_ =	swait.ge @!p0 [sflag:s0], s1  }
0x8f: {  	s1 =	ssub.s32 @!p0 $0x0, s1;
	[sflag:s0] =	ssyncset.done @!p0 $0x0  }
0x90: {  	[sflag:s0] =	ssyncadd.s32 @!p0 s1  }
0x91: {  	[bflag:$0x3] =	sbarrier.arrive $0xFFFF  }
0x92: {  	_ =	shalt  }

</sc_bundles>
